<compile_context>
chip_gen: v7x
topology: tpu7x:2x2x1
jax: 0.10.2.dev20260603
libtpu: 0.0.44.dev20260713+nightly
codegen_flags: <defaults>
</compile_context>

<pallas_src>
import functools

import jax
import jax.numpy as jnp
from jax import lax
from jax.experimental import pallas as pl
from jax.experimental.pallas import tpu as pltpu
from jax.experimental.pallas import tpu_sc as plsc

NC = 2
NS = 16
NW = NC * NS
CHUNK = 80
IDEPTH = 4
BLK = 1280


def _sc_segment_sum(nodes_pad, edges_embed, idx3, zrows, zcnt):
  n_pad, d = nodes_pad.shape
  n_chunks = idx3.shape[0]
  slice_rows = n_pad // NS
  cpt = n_chunks // NW
  mesh = plsc.VectorSubcoreMesh(core_axis_name="c", subcore_axis_name="s")

  @functools.partial(
      pl.kernel,
      out_type=(
          jax.ShapeDtypeStruct((n_pad, d), jnp.float32),
          jax.ShapeDtypeStruct((n_pad, d), jnp.float32),
          jax.ShapeDtypeStruct((n_pad,), jnp.float32),
          jax.ShapeDtypeStruct((n_pad,), jnp.float32),
      ),
      mesh=mesh,
      scratch_types=[
          pltpu.VMEM((IDEPTH, 3, CHUNK), jnp.int32),
          pltpu.VMEM((2, CHUNK, d), jnp.float32),
          pltpu.VMEM((2, CHUNK, d), jnp.float32),
          pltpu.VMEM((CHUNK,), jnp.float32),
          pltpu.VMEM_SHARED((n_pad, d), jnp.float32),
          pltpu.VMEM_SHARED((n_pad,), jnp.float32),
          pltpu.SemaphoreType.DMA((IDEPTH,)),
          pltpu.SemaphoreType.DMA((2,)),
          pltpu.SemaphoreType.DMA((2,)),
          pltpu.SemaphoreType.DMA((2,)),
      ],
  )
  def k(nodes_hbm, eemb_hbm, idx_hbm, zr_hbm, zc_hbm,
        acc0_out, acc1_out, cnt0_out, cnt1_out,
        idx_v, rows_a, rows_b, ones, acc, cnt,
        sem_i, sem_a, sem_b, sem_s):
    c = lax.axis_index("c")
    s = lax.axis_index("s")
    wid = c * NS + s
    rowsl = pl.ds(s * slice_rows, slice_rows)
    base = wid * cpt

    def fire_idx(j, q):
      pltpu.async_copy(idx_hbm.at[base + j], idx_v.at[q], sem_i.at[q])

    def wait_idx(j, q):
      pltpu.make_async_copy(
          idx_hbm.at[base + j], idx_v.at[q], sem_i.at[q]).wait()

    def fire_gather(j, b, q):
      pltpu.async_copy(nodes_hbm.at[idx_v.at[q, 0]], rows_a.at[b], sem_a.at[b])
      pltpu.async_copy(eemb_hbm.at[idx_v.at[q, 1]], rows_b.at[b], sem_b.at[b])

    def wait_gather(j, b, q):
      pltpu.make_async_copy(
          nodes_hbm.at[idx_v.at[q, 0]], rows_a.at[b], sem_a.at[b]).wait()
      pltpu.make_async_copy(
          eemb_hbm.at[idx_v.at[q, 1]], rows_b.at[b], sem_b.at[b]).wait()

    def fire_scatter(j, b, q):
      pltpu.async_copy(rows_a.at[b], acc.at[idx_v.at[q, 2]], sem_s.at[b],
                       add=True)
      pltpu.async_copy(rows_b.at[b], acc.at[idx_v.at[q, 2]], sem_s.at[b],
                       add=True)
      pltpu.async_copy(ones, cnt.at[idx_v.at[q, 2]], sem_s.at[b], add=True)

    def wait_scatter(j, b, q):
      pltpu.make_async_copy(
          rows_a.at[b], acc.at[idx_v.at[q, 2]], sem_s.at[b]).wait()
      pltpu.make_async_copy(
          rows_b.at[b], acc.at[idx_v.at[q, 2]], sem_s.at[b]).wait()
      pltpu.make_async_copy(
          ones, cnt.at[idx_v.at[q, 2]], sem_s.at[b]).wait()

    for j in range(min(IDEPTH - 1, cpt)):
      fire_idx(j, j % IDEPTH)
    pltpu.sync_copy(zr_hbm, acc.at[rowsl])
    pltpu.sync_copy(zc_hbm, cnt.at[rowsl])
    for kk in range(CHUNK // 16):
      ones[pl.ds(kk * 16, 16)] = jnp.ones((16,), jnp.float32)
    plsc.subcore_barrier()

    wait_idx(0, 0)
    fire_gather(0, 0, 0)

    n_outer = (cpt + IDEPTH) // IDEPTH

    def body(jj, carry):
      for u in range(IDEPTH):
        j = jj * IDEPTH + u
        b = u % 2
        q = u % IDEPTH

        @pl.when((j >= 1) & (j <= cpt))
        def _():
          wait_scatter(j - 1, 1 - b, (q - 1) % IDEPTH)

        @pl.when(j + IDEPTH - 1 < cpt)
        def _():
          fire_idx(j + IDEPTH - 1, (q + IDEPTH - 1) % IDEPTH)

        @pl.when(j + 1 < cpt)
        def _():
          wait_idx(j + 1, (q + 1) % IDEPTH)
          fire_gather(j + 1, 1 - b, (q + 1) % IDEPTH)

        @pl.when(j < cpt)
        def _():
          wait_gather(j, b, q)
          fire_scatter(j, b, q)

      return carry

    lax.fori_loop(0, n_outer, body, 0)
    plsc.subcore_barrier()

    @pl.when(c == 0)
    def _():
      pltpu.sync_copy(acc.at[rowsl], acc0_out.at[rowsl])
      pltpu.sync_copy(cnt.at[rowsl], cnt0_out.at[rowsl])

    @pl.when(c == 1)
    def _():
      pltpu.sync_copy(acc.at[rowsl], acc1_out.at[rowsl])
      pltpu.sync_copy(cnt.at[rowsl], cnt1_out.at[rowsl])

  return k(nodes_pad, edges_embed, idx3, zrows, zcnt)


def _tc_combine(nodes_pad, w_self, w_agg, p0, p1, c0, c1):
  n_pad, d = nodes_pad.shape

  def body(n_ref, ws_ref, wa_ref, p0_ref, p1_ref, c0_ref, c1_ref, o_ref):
    h = lax.dot_general(n_ref[...], ws_ref[...], (((1,), (1,)), ((), ())),
                        preferred_element_type=jnp.float32)
    p = p0_ref[...] + p1_ref[...]
    m = lax.dot_general(p, wa_ref[...], (((1,), (1,)), ((), ())),
                        preferred_element_type=jnp.float32)
    i = pl.program_id(0)
    cntv = c0_ref[pl.ds(i * BLK, BLK)] + c1_ref[pl.ds(i * BLK, BLK)]
    inv = 1.0 / jnp.maximum(cntv, 1.0)
    o_ref[...] = jnp.tanh(h + m * inv[:, None])

  return pl.pallas_call(
      body,
      grid=(n_pad // BLK,),
      in_specs=[
          pl.BlockSpec((BLK, d), lambda i: (i, 0)),
          pl.BlockSpec((d, d), lambda i: (0, 0)),
          pl.BlockSpec((d, d), lambda i: (0, 0)),
          pl.BlockSpec((BLK, d), lambda i: (i, 0)),
          pl.BlockSpec((BLK, d), lambda i: (i, 0)),
          pl.BlockSpec((n_pad,), lambda i: (0,)),
          pl.BlockSpec((n_pad,), lambda i: (0,)),
      ],
      out_specs=pl.BlockSpec((BLK, d), lambda i: (i, 0)),
      out_shape=jax.ShapeDtypeStruct((n_pad, d), jnp.float32),
  )(nodes_pad, w_self, w_agg, p0, p1, c0, c1)


def kernel(nodes_embed, edges_embed, edges, W_self, W_agg):
  n_nodes, d = nodes_embed.shape
  n_edges = edges.shape[0]
  n_chunks = n_edges // CHUNK
  n_pad = ((n_nodes + BLK - 1) // BLK) * BLK

  idx3 = jnp.transpose(edges.reshape(n_chunks, CHUNK, 3), (0, 2, 1))
  nodes_pad = jnp.pad(nodes_embed, ((0, n_pad - n_nodes), (0, 0)))
  zrows = jnp.zeros((n_pad // NS, d), jnp.float32)
  zcnt = jnp.zeros((n_pad // NS,), jnp.float32)

  acc0, acc1, cnt0, cnt1 = _sc_segment_sum(
      nodes_pad, edges_embed, idx3, zrows, zcnt)
  out = _tc_combine(nodes_pad, W_self, W_agg, acc0, acc1, cnt0, cnt1)
  return out[:n_nodes]

# --- scband reference (transcript-rebuilt; emitter-appended) ---
"""Pipeline reference for scband-regcnlayer-73942156968054 (READ-ONLY COPY).

The authoritative reference and input builder live on the scoring server;
editing this copy changes nothing except your own understanding.
"""

import jax, jax.numpy as jnp
import numpy as np

N_NODES = 10000
N_EDGES = 320000
D = 128


def setup_inputs(seed: int = 0) -> dict:
    key = jax.random.key(seed)
    k1, k2, k3, k4, k5 = jax.random.split(key, 5)
    nodes_embed = jax.random.normal(k1, (N_NODES, D), dtype=jnp.float32)
    edges_embed = jax.random.normal(k2, (N_EDGES, D), dtype=jnp.float32)
    # edges: (src, rel, dst); all indices < N_NODES (valid for edges_embed too since N_NODES < N_EDGES)
    edges = jax.random.randint(k3, (N_EDGES, 3), 0, N_NODES, dtype=jnp.int32)
    scale = 1.0 / np.sqrt(D)
    W_self = jax.random.normal(k4, (D, D), dtype=jnp.float32) * scale
    W_agg = jax.random.normal(k5, (D, D), dtype=jnp.float32) * scale
    return {"nodes_embed": nodes_embed, "edges_embed": edges_embed, "edges": edges,
            "W_self": W_self, "W_agg": W_agg}


def reference(nodes_embed, edges_embed, edges, W_self, W_agg):
    N = nodes_embed.shape[0]
    # h = fc_self(nodes_embed)
    h = nodes_embed @ W_self.T
    # message = fc_aggregate(src_embed + rel_embed)
    src = jnp.take(nodes_embed, edges[:, 0], axis=0)
    rel = jnp.take(edges_embed, edges[:, 1], axis=0)
    message = (src + rel) @ W_agg.T
    # aggregate: mean of messages per destination node (only nodes that appear as dst)
    dst = edges[:, 2]
    msg_sum = jax.ops.segment_sum(message, dst, num_segments=N)
    cnt = jax.ops.segment_sum(jnp.ones((message.shape[0],), dtype=message.dtype), dst, num_segments=N)
    mean_msg = jnp.where(cnt[:, None] > 0, msg_sum / jnp.maximum(cnt, 1.0)[:, None], 0.0)
    # h[des_unique] = h[des_unique] + mean_msg  (nodes with no incoming edges untouched)
    h = h + mean_msg
    return jnp.tanh(h)

if __name__ == "__main__":
    import jax
    _d = setup_inputs()
    print(jax.jit(kernel)(*tuple(_d.values())))

</pallas_src>

<mosaic_0001>
#map = affine_map<(d0, d1) -> (0, 0)>
#map1 = affine_map<(d0, d1) -> (0, 0, 0)>
#map2 = affine_map<(d0, d1) -> (0)>
module attributes {stable_mosaic.version = 14 : i64} {
  func.func @k(%arg0: i32, %arg1: i32, %arg2: memref<10240x128xf32, #tpu.memory_space<hbm>>, %arg3: memref<320000x128xf32, #tpu.memory_space<hbm>>, %arg4: memref<4000x3x80xi32, #tpu.memory_space<hbm>>, %arg5: memref<640x128xf32, #tpu.memory_space<hbm>>, %arg6: memref<640xf32, #tpu.memory_space<hbm>>, %arg7: memref<10240x128xf32, #tpu.memory_space<hbm>>, %arg8: memref<10240x128xf32, #tpu.memory_space<hbm>>, %arg9: memref<10240xf32, #tpu.memory_space<hbm>>, %arg10: memref<10240xf32, #tpu.memory_space<hbm>>, %arg11: memref<4x3x80xi32, #tpu.memory_space<vmem>>, %arg12: memref<2x80x128xf32, #tpu.memory_space<vmem>>, %arg13: memref<2x80x128xf32, #tpu.memory_space<vmem>>, %arg14: memref<80xf32, #tpu.memory_space<vmem>>, %arg15: memref<10240x128xf32, #tpu.memory_space<vmem_shared>>, %arg16: memref<10240xf32, #tpu.memory_space<vmem_shared>>, %arg17: memref<4x!tpu.dma_semaphore, #tpu.memory_space<semaphore_mem>>, %arg18: memref<2x!tpu.dma_semaphore, #tpu.memory_space<semaphore_mem>>, %arg19: memref<2x!tpu.dma_semaphore, #tpu.memory_space<semaphore_mem>>, %arg20: memref<2x!tpu.dma_semaphore, #tpu.memory_space<semaphore_mem>>) attributes {dimension_semantics = [#tpu.dimension_semantics<core_parallel>, #tpu.dimension_semantics<subcore_parallel>], iteration_bounds = array<i64: 2, 16>, scalar_prefetch = 0 : i64, scratch_operands = 10 : i64, tpu.core_type = #tpu.core_type<sc_vector_subcore>, window_params = [{transform_indices = #map}, {transform_indices = #map}, {transform_indices = #map1}, {transform_indices = #map}, {transform_indices = #map2}, {transform_indices = #map}, {transform_indices = #map}, {transform_indices = #map2}, {transform_indices = #map2}]} {
    %mul3A = arith.constant 16 : i32
    %mul3A_0 = arith.muli %arg0, %mul3A : i32
    %add3A = arith.addi %mul3A_0, %arg1 : i32
    %mul3A_1 = arith.constant 640 : i32
    %mul3A_2 = arith.muli %arg1, %mul3A_1 : i32
    %mul3A_3 = arith.constant 125 : i32
    %mul3A_4 = arith.muli %add3A, %mul3A_3 : i32
    %add3A_5 = arith.constant 0 : i32
    %add3A_6 = arith.addi %mul3A_4, %add3A_5 : i32
    %dma_start3A = arith.constant 0 : i32
    %dma_start3A_7 = arith.constant 0 : i32
    %dma_start3A_8 = arith.constant 0 : i32
    %dma_start3A_9 = arith.constant 0 : i32
    %dma_start3A_10 = tpu.memref_slice %arg11[%dma_start3A, %dma_start3A_8, %dma_start3A_9] : memref<4x3x80xi32, #tpu.memory_space<vmem>> -> memref<1x3x80xi32, #tpu.memory_space<vmem>>
    %dma_start3A_11 = tpu.memref_squeeze %dma_start3A_10 : memref<1x3x80xi32, #tpu.memory_space<vmem>> -> memref<3x80xi32, #tpu.memory_space<vmem>>
    %dma_start3A_12 = arith.constant 0 : i32
    %dma_start3A_13 = arith.constant 0 : i32
    %dma_start3A_14 = tpu.memref_slice %arg4[%add3A_6, %dma_start3A_12, %dma_start3A_13] : memref<4000x3x80xi32, #tpu.memory_space<hbm>> -> memref<1x3x80xi32, #tpu.memory_space<hbm>>
    %dma_start3A_15 = tpu.memref_squeeze %dma_start3A_14 : memref<1x3x80xi32, #tpu.memory_space<hbm>> -> memref<3x80xi32, #tpu.memory_space<hbm>>
    %dma_start3A_16 = tpu.memref_slice %arg17[%dma_start3A_7] : memref<4x!tpu.dma_semaphore, #tpu.memory_space<semaphore_mem>> -> memref<1x!tpu.dma_semaphore, #tpu.memory_space<semaphore_mem>>
    %dma_start3A_17 = tpu.memref_squeeze %dma_start3A_16 : memref<1x!tpu.dma_semaphore, #tpu.memory_space<semaphore_mem>> -> memref<!tpu.dma_semaphore, #tpu.memory_space<semaphore_mem>>
    %dma_start3A_18 = arith.constant 0 : i32
    %dma_start3A_19 = arith.constant 0 : i32
    %dma_start3A_20 = tpu.memref_slice %arg11[%dma_start3A, %dma_start3A_18, %dma_start3A_19] : memref<4x3x80xi32, #tpu.memory_space<vmem>> -> memref<1x3x80xi32, #tpu.memory_space<vmem>>
    %dma_start3A_21 = tpu.memref_squeeze %dma_start3A_20 : memref<1x3x80xi32, #tpu.memory_space<vmem>> -> memref<3x80xi32, #tpu.memory_space<vmem>>
    %dma_start3A_22 = arith.constant 0 : i32
    %dma_start3A_23 = arith.constant 0 : i32
    %dma_start3A_24 = tpu.memref_slice %arg4[%add3A_6, %dma_start3A_22, %dma_start3A_23] : memref<4000x3x80xi32, #tpu.memory_space<hbm>> -> memref<1x3x80xi32, #tpu.memory_space<hbm>>
    %dma_start3A_25 = tpu.memref_squeeze %dma_start3A_24 : memref<1x3x80xi32, #tpu.memory_space<hbm>> -> memref<3x80xi32, #tpu.memory_space<hbm>>
    tpu.enqueue_dma source(%dma_start3A_25 : memref<3x80xi32, #tpu.memory_space<hbm>>) target(%dma_start3A_21 : memref<3x80xi32, #tpu.memory_space<vmem>>) target_semaphore(%dma_start3A_17 : memref<!tpu.dma_semaphore, #tpu.memory_space<semaphore_mem>>)
    %add3A_26 = arith.constant 1 : i32
    %add3A_27 = arith.addi %mul3A_4, %add3A_26 : i32
    %dma_start3A_28 = arith.constant 1 : i32
    %dma_start3A_29 = arith.constant 1 : i32
    %dma_start3A_30 = arith.constant 0 : i32
    %dma_start3A_31 = arith.constant 0 : i32
    %dma_start3A_32 = tpu.memref_slice %arg11[%dma_start3A_28, %dma_start3A_30, %dma_start3A_31] : memref<4x3x80xi32, #tpu.memory_space<vmem>> -> memref<1x3x80xi32, #tpu.memory_space<vmem>>
    %dma_start3A_33 = tpu.memref_squeeze %dma_start3A_32 : memref<1x3x80xi32, #tpu.memory_space<vmem>> -> memref<3x80xi32, #tpu.memory_space<vmem>>
    %dma_start3A_34 = arith.constant 0 : i32
    %dma_start3A_35 = arith.constant 0 : i32
    %dma_start3A_36 = tpu.memref_slice %arg4[%add3A_27, %dma_start3A_34, %dma_start3A_35] : memref<4000x3x80xi32, #tpu.memory_space<hbm>> -> memref<1x3x80xi32, #tpu.memory_space<hbm>>
    %dma_start3A_37 = tpu.memref_squeeze %dma_start3A_36 : memref<1x3x80xi32, #tpu.memory_space<hbm>> -> memref<3x80xi32, #tpu.memory_space<hbm>>
    %dma_start3A_38 = tpu.memref_slice %arg17[%dma_start3A_29] : memref<4x!tpu.dma_semaphore, #tpu.memory_space<semaphore_mem>> -> memref<1x!tpu.dma_semaphore, #tpu.memory_space<semaphore_mem>>
    %dma_start3A_39 = tpu.memref_squeeze %dma_start3A_38 : memref<1x!tpu.dma_semaphore, #tpu.memory_space<semaphore_mem>> -> memref<!tpu.dma_semaphore, #tpu.memory_space<semaphore_mem>>
    %dma_start3A_40 = arith.constant 0 : i32
    %dma_start3A_41 = arith.constant 0 : i32
    %dma_start3A_42 = tpu.memref_slice %arg11[%dma_start3A_28, %dma_start3A_40, %dma_start3A_41] : memref<4x3x80xi32, #tpu.memory_space<vmem>> -> memref<1x3x80xi32, #tpu.memory_space<vmem>>
    %dma_start3A_43 = tpu.memref_squeeze %dma_start3A_42 : memref<1x3x80xi32, #tpu.memory_space<vmem>> -> memref<3x80xi32, #tpu.memory_space<vmem>>
    %dma_start3A_44 = arith.constant 0 : i32
    %dma_start3A_45 = arith.constant 0 : i32
    %dma_start3A_46 = tpu.memref_slice %arg4[%add3A_27, %dma_start3A_44, %dma_start3A_45] : memref<4000x3x80xi32, #tpu.memory_space<hbm>> -> memref<1x3x80xi32, #tpu.memory_space<hbm>>
    %dma_start3A_47 = tpu.memref_squeeze %dma_start3A_46 : memref<1x3x80xi32, #tpu.memory_space<hbm>> -> memref<3x80xi32, #tpu.memory_space<hbm>>
    tpu.enqueue_dma source(%dma_start3A_47 : memref<3x80xi32, #tpu.memory_space<hbm>>) target(%dma_start3A_43 : memref<3x80xi32, #tpu.memory_space<vmem>>) target_semaphore(%dma_start3A_39 : memref<!tpu.dma_semaphore, #tpu.memory_space<semaphore_mem>>)
    %add3A_48 = arith.constant 2 : i32
    %add3A_49 = arith.addi %mul3A_4, %add3A_48 : i32
    %dma_start3A_50 = arith.constant 2 : i32
    %dma_start3A_51 = arith.constant 2 : i32
    %dma_start3A_52 = arith.constant 0 : i32
    %dma_start3A_53 = arith.constant 0 : i32
    %dma_start3A_54 = tpu.memref_slice %arg11[%dma_start3A_50, %dma_start3A_52, %dma_start3A_53] : memref<4x3x80xi32, #tpu.memory_space<vmem>> -> memref<1x3x80xi32, #tpu.memory_space<vmem>>
    %dma_start3A_55 = tpu.memref_squeeze %dma_start3A_54 : memref<1x3x80xi32, #tpu.memory_space<vmem>> -> memref<3x80xi32, #tpu.memory_space<vmem>>
    %dma_start3A_56 = arith.constant 0 : i32
    %dma_start3A_57 = arith.constant 0 : i32
    %dma_start3A_58 = tpu.memref_slice %arg4[%add3A_49, %dma_start3A_56, %dma_start3A_57] : memref<4000x3x80xi32, #tpu.memory_space<hbm>> -> memref<1x3x80xi32, #tpu.memory_space<hbm>>
    %dma_start3A_59 = tpu.memref_squeeze %dma_start3A_58 : memref<1x3x80xi32, #tpu.memory_space<hbm>> -> memref<3x80xi32, #tpu.memory_space<hbm>>
    %dma_start3A_60 = tpu.memref_slice %arg17[%dma_start3A_51] : memref<4x!tpu.dma_semaphore, #tpu.memory_space<semaphore_mem>> -> memref<1x!tpu.dma_semaphore, #tpu.memory_space<semaphore_mem>>
    %dma_start3A_61 = tpu.memref_squeeze %dma_start3A_60 : memref<1x!tpu.dma_semaphore, #tpu.memory_space<semaphore_mem>> -> memref<!tpu.dma_semaphore, #tpu.memory_space<semaphore_mem>>
    %dma_start3A_62 = arith.constant 0 : i32
    %dma_start3A_63 = arith.constant 0 : i32
    %dma_start3A_64 = tpu.memref_slice %arg11[%dma_start3A_50, %dma_start3A_62, %dma_start3A_63] : memref<4x3x80xi32, #tpu.memory_space<vmem>> -> memref<1x3x80xi32, #tpu.memory_space<vmem>>
    %dma_start3A_65 = tpu.memref_squeeze %dma_start3A_64 : memref<1x3x80xi32, #tpu.memory_space<vmem>> -> memref<3x80xi32, #tpu.memory_space<vmem>>
    %dma_start3A_66 = arith.constant 0 : i32
    %dma_start3A_67 = arith.constant 0 : i32
    %dma_start3A_68 = tpu.memref_slice %arg4[%add3A_49, %dma_start3A_66, %dma_start3A_67] : memref<4000x3x80xi32, #tpu.memory_space<hbm>> -> memref<1x3x80xi32, #tpu.memory_space<hbm>>
    %dma_start3A_69 = tpu.memref_squeeze %dma_start3A_68 : memref<1x3x80xi32, #tpu.memory_space<hbm>> -> memref<3x80xi32, #tpu.memory_space<hbm>>
    tpu.enqueue_dma source(%dma_start3A_69 : memref<3x80xi32, #tpu.memory_space<hbm>>) target(%dma_start3A_65 : memref<3x80xi32, #tpu.memory_space<vmem>>) target_semaphore(%dma_start3A_61 : memref<!tpu.dma_semaphore, #tpu.memory_space<semaphore_mem>>)
    "tpu.region"() ({
      %run_scoped3A = tpu.sem_alloc : memref<!tpu.dma_semaphore, #tpu.memory_space<semaphore_mem>>
      %dma_start3A_164 = arith.constant 0 : i32
      %dma_start3A_165 = tpu.memref_slice %arg15[%mul3A_2, %dma_start3A_164] : memref<10240x128xf32, #tpu.memory_space<vmem_shared>> -> memref<640x128xf32, #tpu.memory_space<vmem_shared>>
      tpu.enqueue_dma source(%arg5 : memref<640x128xf32, #tpu.memory_space<hbm>>) target(%dma_start3A_165 : memref<640x128xf32, #tpu.memory_space<vmem_shared>>) target_semaphore(%run_scoped3A : memref<!tpu.dma_semaphore, #tpu.memory_space<semaphore_mem>>)
      %dma_wait3A_166 = arith.constant 0 : i32
      %dma_wait3A_167 = tpu.memref_slice %arg15[%mul3A_2, %dma_wait3A_166] : memref<10240x128xf32, #tpu.memory_space<vmem_shared>> -> memref<640x128xf32, #tpu.memory_space<vmem_shared>>
      tpu.wait_dma2 semaphore(%run_scoped3A : memref<!tpu.dma_semaphore, #tpu.memory_space<semaphore_mem>>) src(%arg5 : memref<640x128xf32, #tpu.memory_space<hbm>>) dst(%dma_wait3A_167 : memref<640x128xf32, #tpu.memory_space<vmem_shared>>)
      tpu.yield
    }) : () -> ()
    "tpu.region"() ({
      %run_scoped3A = tpu.sem_alloc : memref<!tpu.dma_semaphore, #tpu.memory_space<semaphore_mem>>
      %dma_start3A_164 = tpu.memref_slice %arg16[%mul3A_2] : memref<10240xf32, #tpu.memory_space<vmem_shared>> -> memref<640xf32, #tpu.memory_space<vmem_shared>>
      tpu.enqueue_dma source(%arg6 : memref<640xf32, #tpu.memory_space<hbm>>) target(%dma_start3A_164 : memref<640xf32, #tpu.memory_space<vmem_shared>>) target_semaphore(%run_scoped3A : memref<!tpu.dma_semaphore, #tpu.memory_space<semaphore_mem>>)
      %dma_wait3A_165 = tpu.memref_slice %arg16[%mul3A_2] : memref<10240xf32, #tpu.memory_space<vmem_shared>> -> memref<640xf32, #tpu.memory_space<vmem_shared>>
      tpu.wait_dma2 semaphore(%run_scoped3A : memref<!tpu.dma_semaphore, #tpu.memory_space<semaphore_mem>>) src(%arg6 : memref<640xf32, #tpu.memory_space<hbm>>) dst(%dma_wait3A_165 : memref<640xf32, #tpu.memory_space<vmem_shared>>)
      tpu.yield
    }) : () -> ()
    %broadcast_in_dim3A = arith.constant 1.000000e+00 : f32
    %broadcast_in_dim3A_70 = vector.broadcast %broadcast_in_dim3A : f32 to vector<16xf32>
    %swap3A = arith.constant 0 : index
    %swap3A_71 = tpu.vector_load %arg14[%swap3A] {strides = array<i32>} : memref<80xf32, #tpu.memory_space<vmem>>, vector<16xf32>,
    %swap3A_72 = vector.shape_cast %swap3A_71 : vector<16xf32> to vector<16xf32>
    %swap3A_73 = vector.shape_cast %broadcast_in_dim3A_70 : vector<16xf32> to vector<16xf32>
    tpu.vector_store %arg14[%swap3A], %swap3A_73 {strides = array<i32>} : memref<80xf32, #tpu.memory_space<vmem>>, vector<16xf32>,
    %broadcast_in_dim3A_74 = arith.constant 1.000000e+00 : f32
    %broadcast_in_dim3A_75 = vector.broadcast %broadcast_in_dim3A_74 : f32 to vector<16xf32>
    %swap3A_76 = arith.constant 16 : index
    %swap3A_77 = tpu.vector_load %arg14[%swap3A_76] {strides = array<i32>} : memref<80xf32, #tpu.memory_space<vmem>>, vector<16xf32>,
    %swap3A_78 = vector.shape_cast %swap3A_77 : vector<16xf32> to vector<16xf32>
    %swap3A_79 = vector.shape_cast %broadcast_in_dim3A_75 : vector<16xf32> to vector<16xf32>
    tpu.vector_store %arg14[%swap3A_76], %swap3A_79 {strides = array<i32>} : memref<80xf32, #tpu.memory_space<vmem>>, vector<16xf32>,
    %broadcast_in_dim3A_80 = arith.constant 1.000000e+00 : f32
    %broadcast_in_dim3A_81 = vector.broadcast %broadcast_in_dim3A_80 : f32 to vector<16xf32>
    %swap3A_82 = arith.constant 32 : index
    %swap3A_83 = tpu.vector_load %arg14[%swap3A_82] {strides = array<i32>} : memref<80xf32, #tpu.memory_space<vmem>>, vector<16xf32>,
    %swap3A_84 = vector.shape_cast %swap3A_83 : vector<16xf32> to vector<16xf32>
    %swap3A_85 = vector.shape_cast %broadcast_in_dim3A_81 : vector<16xf32> to vector<16xf32>
    tpu.vector_store %arg14[%swap3A_82], %swap3A_85 {strides = array<i32>} : memref<80xf32, #tpu.memory_space<vmem>>, vector<16xf32>,
    %broadcast_in_dim3A_86 = arith.constant 1.000000e+00 : f32
    %broadcast_in_dim3A_87 = vector.broadcast %broadcast_in_dim3A_86 : f32 to vector<16xf32>
    %swap3A_88 = arith.constant 48 : index
    %swap3A_89 = tpu.vector_load %arg14[%swap3A_88] {strides = array<i32>} : memref<80xf32, #tpu.memory_space<vmem>>, vector<16xf32>,
    %swap3A_90 = vector.shape_cast %swap3A_89 : vector<16xf32> to vector<16xf32>
    %swap3A_91 = vector.shape_cast %broadcast_in_dim3A_87 : vector<16xf32> to vector<16xf32>
    tpu.vector_store %arg14[%swap3A_88], %swap3A_91 {strides = array<i32>} : memref<80xf32, #tpu.memory_space<vmem>>, vector<16xf32>,
    %broadcast_in_dim3A_92 = arith.constant 1.000000e+00 : f32
    %broadcast_in_dim3A_93 = vector.broadcast %broadcast_in_dim3A_92 : f32 to vector<16xf32>
    %swap3A_94 = arith.constant 64 : index
    %swap3A_95 = tpu.vector_load %arg14[%swap3A_94] {strides = array<i32>} : memref<80xf32, #tpu.memory_space<vmem>>, vector<16xf32>,
    %swap3A_96 = vector.shape_cast %swap3A_95 : vector<16xf32> to vector<16xf32>
    %swap3A_97 = vector.shape_cast %broadcast_in_dim3A_93 : vector<16xf32> to vector<16xf32>
    tpu.vector_store %arg14[%swap3A_94], %swap3A_97 {strides = array<i32>} : memref<80xf32, #tpu.memory_space<vmem>>, vector<16xf32>,
    %barrier3A = arith.constant 0 : index
    tpu.barrier barrier_id(%barrier3A)
    %add3A_98 = arith.constant 0 : i32
    %add3A_99 = arith.addi %mul3A_4, %add3A_98 : i32
    %dma_wait3A = arith.constant 0 : i32
    %dma_wait3A_100 = arith.constant 0 : i32
    %dma_wait3A_101 = arith.constant 0 : i32
    %dma_wait3A_102 = arith.constant 0 : i32
    %dma_wait3A_103 = tpu.memref_slice %arg11[%dma_wait3A, %dma_wait3A_101, %dma_wait3A_102] : memref<4x3x80xi32, #tpu.memory_space<vmem>> -> memref<1x3x80xi32, #tpu.memory_space<vmem>>
    %dma_wait3A_104 = tpu.memref_squeeze %dma_wait3A_103 : memref<1x3x80xi32, #tpu.memory_space<vmem>> -> memref<3x80xi32, #tpu.memory_space<vmem>>
    %dma_wait3A_105 = arith.constant 0 : i32
    %dma_wait3A_106 = arith.constant 0 : i32
    %dma_wait3A_107 = tpu.memref_slice %arg4[%add3A_99, %dma_wait3A_105, %dma_wait3A_106] : memref<4000x3x80xi32, #tpu.memory_space<hbm>> -> memref<1x3x80xi32, #tpu.memory_space<hbm>>
    %dma_wait3A_108 = tpu.memref_squeeze %dma_wait3A_107 : memref<1x3x80xi32, #tpu.memory_space<hbm>> -> memref<3x80xi32, #tpu.memory_space<hbm>>
    %dma_wait3A_109 = tpu.memref_slice %arg17[%dma_wait3A_100] : memref<4x!tpu.dma_semaphore, #tpu.memory_space<semaphore_mem>> -> memref<1x!tpu.dma_semaphore, #tpu.memory_space<semaphore_mem>>
    %dma_wait3A_110 = tpu.memref_squeeze %dma_wait3A_109 : memref<1x!tpu.dma_semaphore, #tpu.memory_space<semaphore_mem>> -> memref<!tpu.dma_semaphore, #tpu.memory_space<semaphore_mem>>
    %dma_wait3A_111 = arith.constant 0 : i32
    %dma_wait3A_112 = arith.constant 0 : i32
    %dma_wait3A_113 = tpu.memref_slice %arg11[%dma_wait3A, %dma_wait3A_111, %dma_wait3A_112] : memref<4x3x80xi32, #tpu.memory_space<vmem>> -> memref<1x3x80xi32, #tpu.memory_space<vmem>>
    %dma_wait3A_114 = tpu.memref_squeeze %dma_wait3A_113 : memref<1x3x80xi32, #tpu.memory_space<vmem>> -> memref<3x80xi32, #tpu.memory_space<vmem>>
    %dma_wait3A_115 = arith.constant 0 : i32
    %dma_wait3A_116 = arith.constant 0 : i32
    %dma_wait3A_117 = tpu.memref_slice %arg4[%add3A_99, %dma_wait3A_115, %dma_wait3A_116] : memref<4000x3x80xi32, #tpu.memory_space<hbm>> -> memref<1x3x80xi32, #tpu.memory_space<hbm>>
    %dma_wait3A_118 = tpu.memref_squeeze %dma_wait3A_117 : memref<1x3x80xi32, #tpu.memory_space<hbm>> -> memref<3x80xi32, #tpu.memory_space<hbm>>
    tpu.wait_dma2 semaphore(%dma_wait3A_110 : memref<!tpu.dma_semaphore, #tpu.memory_space<semaphore_mem>>) src(%dma_wait3A_118 : memref<3x80xi32, #tpu.memory_space<hbm>>) dst(%dma_wait3A_114 : memref<3x80xi32, #tpu.memory_space<vmem>>)
    %dma_start3A_119 = arith.constant 0 : i32
    %dma_start3A_120 = arith.constant 0 : i32
    %dma_start3A_121 = arith.constant 0 : i32
    %dma_start3A_122 = arith.constant 0 : i32
    %dma_start3A_123 = arith.constant 0 : i32
    %dma_start3A_124 = arith.constant 0 : i32
    %dma_start3A_125 = tpu.memref_slice %arg12[%dma_start3A_121, %dma_start3A_123, %dma_start3A_124] : memref<2x80x128xf32, #tpu.memory_space<vmem>> -> memref<1x80x128xf32, #tpu.memory_space<vmem>>
    %dma_start3A_126 = tpu.memref_squeeze %dma_start3A_125 : memref<1x80x128xf32, #tpu.memory_space<vmem>> -> memref<80x128xf32, #tpu.memory_space<vmem>>
    %dma_start3A_127 = arith.constant 0 : i32
    %dma_start3A_128 = tpu.memref_slice %arg11[%dma_start3A_119, %dma_start3A_120, %dma_start3A_127] : memref<4x3x80xi32, #tpu.memory_space<vmem>> -> memref<1x1x80xi32, #tpu.memory_space<vmem>>
    %dma_start3A_129 = tpu.memref_squeeze %dma_start3A_128 : memref<1x1x80xi32, #tpu.memory_space<vmem>> -> memref<80xi32, #tpu.memory_space<vmem>>
    %dma_start3A_130 = arith.constant 0 : i32
    %dma_start3A_131 = arith.constant 0 : i32
    %dma_start3A_132 = tpu.memref_slice %arg2[%dma_start3A_130, %dma_start3A_131] : memref<10240x128xf32, #tpu.memory_space<hbm>> -> memref<10240x128xf32, #tpu.memory_space<hbm>>
    %dma_start3A_133 = tpu.memref_slice %arg18[%dma_start3A_122] : memref<2x!tpu.dma_semaphore, #tpu.memory_space<semaphore_mem>> -> memref<1x!tpu.dma_semaphore, #tpu.memory_space<semaphore_mem>>
    %dma_start3A_134 = tpu.memref_squeeze %dma_start3A_133 : memref<1x!tpu.dma_semaphore, #tpu.memory_space<semaphore_mem>> -> memref<!tpu.dma_semaphore, #tpu.memory_space<semaphore_mem>>
    tpu.enqueue_indirect_dma source(%dma_start3A_132 : memref<10240x128xf32, #tpu.memory_space<hbm>>) target(%dma_start3A_126 : memref<80x128xf32, #tpu.memory_space<vmem>>) offsets(%dma_start3A_129 : memref<80xi32, #tpu.memory_space<vmem>>) semaphore(%dma_start3A_134 : memref<!tpu.dma_semaphore, #tpu.memory_space<semaphore_mem>>)
    %dma_start3A_135 = arith.constant 0 : i32
    %dma_start3A_136 = arith.constant 1 : i32
    %dma_start3A_137 = arith.constant 0 : i32
    %dma_start3A_138 = arith.constant 0 : i32
    %dma_start3A_139 = arith.constant 0 : i32
    %dma_start3A_140 = arith.constant 0 : i32
    %dma_start3A_141 = tpu.memref_slice %arg13[%dma_start3A_137, %dma_start3A_139, %dma_start3A_140] : memref<2x80x128xf32, #tpu.memory_space<vmem>> -> memref<1x80x128xf32, #tpu.memory_space<vmem>>
    %dma_start3A_142 = tpu.memref_squeeze %dma_start3A_141 : memref<1x80x128xf32, #tpu.memory_space<vmem>> -> memref<80x128xf32, #tpu.memory_space<vmem>>
    %dma_start3A_143 = arith.constant 0 : i32
    %dma_start3A_144 = tpu.memref_slice %arg11[%dma_start3A_135, %dma_start3A_136, %dma_start3A_143] : memref<4x3x80xi32, #tpu.memory_space<vmem>> -> memref<1x1x80xi32, #tpu.memory_space<vmem>>
    %dma_start3A_145 = tpu.memref_squeeze %dma_start3A_144 : memref<1x1x80xi32, #tpu.memory_space<vmem>> -> memref<80xi32, #tpu.memory_space<vmem>>
    %dma_start3A_146 = arith.constant 0 : i32
    %dma_start3A_147 = arith.constant 0 : i32
    %dma_start3A_148 = tpu.memref_slice %arg3[%dma_start3A_146, %dma_start3A_147] : memref<320000x128xf32, #tpu.memory_space<hbm>> -> memref<320000x128xf32, #tpu.memory_space<hbm>>
    %dma_start3A_149 = tpu.memref_slice %arg19[%dma_start3A_138] : memref<2x!tpu.dma_semaphore, #tpu.memory_space<semaphore_mem>> -> memref<1x!tpu.dma_semaphore, #tpu.memory_space<semaphore_mem>>
    %dma_start3A_150 = tpu.memref_squeeze %dma_start3A_149 : memref<1x!tpu.dma_semaphore, #tpu.memory_space<semaphore_mem>> -> memref<!tpu.dma_semaphore, #tpu.memory_space<semaphore_mem>>
    tpu.enqueue_indirect_dma source(%dma_start3A_148 : memref<320000x128xf32, #tpu.memory_space<hbm>>) target(%dma_start3A_142 : memref<80x128xf32, #tpu.memory_space<vmem>>) offsets(%dma_start3A_145 : memref<80xi32, #tpu.memory_space<vmem>>) semaphore(%dma_start3A_150 : memref<!tpu.dma_semaphore, #tpu.memory_space<semaphore_mem>>)
    %scan3A = arith.constant 0 : i32
    %scan3A_151 = arith.constant 0 : i32
    %scan3A_152 = arith.constant 32 : i32
    %scan3A_153 = arith.addi %scan3A_151, %scan3A_152 : i32
    %scan3A_154 = arith.constant 1 : i32
    scf.for %scan3A_164 = %scan3A_151 to %scan3A_153 step %scan3A_154  : i32 {
      %mul3A_165 = arith.constant 4 : i32
      %mul3A_166 = arith.muli %scan3A_164, %mul3A_165 : i32
      %add3A_167 = arith.constant 0 : i32
      %add3A_168 = arith.addi %mul3A_166, %add3A_167 : i32
      %ge3A = arith.constant 1 : i32
      %ge3A_169 = arith.cmpi sge, %add3A_168, %ge3A : i32
      %le3A = arith.constant 125 : i32
      %le3A_170 = arith.cmpi sle, %add3A_168, %le3A : i32
      %and3A = arith.andi %ge3A_169, %le3A_170 : i1
      %convert_element_type3A_171 = arith.extui %and3A : i1 to i32
      %cond3A_172 = arith.constant 0 : i32
      %cond3A_173 = arith.cmpi ne, %convert_element_type3A_171, %cond3A_172 : i32
      scf.if %cond3A_173 {
        %sub3A_292 = arith.constant 1 : i32
        %sub3A_293 = arith.subi %add3A_168, %sub3A_292 : i32
        %dma_wait3A_294 = arith.constant 1 : i32
        %dma_wait3A_295 = arith.constant 3 : i32
        %dma_wait3A_296 = arith.constant 2 : i32
        %dma_wait3A_297 = arith.constant 1 : i32
        %dma_wait3A_298 = arith.constant 0 : i32
        %dma_wait3A_299 = arith.constant 0 : i32
        %dma_wait3A_300 = tpu.memref_slice %arg12[%dma_wait3A_294, %dma_wait3A_298, %dma_wait3A_299] : memref<2x80x128xf32, #tpu.memory_space<vmem>> -> memref<1x80x128xf32, #tpu.memory_space<vmem>>
        %dma_wait3A_301 = tpu.memref_squeeze %dma_wait3A_300 : memref<1x80x128xf32, #tpu.memory_space<vmem>> -> memref<80x128xf32, #tpu.memory_space<vmem>>
        %dma_wait3A_302 = arith.constant 0 : i32
        %dma_wait3A_303 = tpu.memref_slice %arg11[%dma_wait3A_295, %dma_wait3A_296, %dma_wait3A_302] : memref<4x3x80xi32, #tpu.memory_space<vmem>> -> memref<1x1x80xi32, #tpu.memory_space<vmem>>
        %dma_wait3A_304 = tpu.memref_squeeze %dma_wait3A_303 : memref<1x1x80xi32, #tpu.memory_space<vmem>> -> memref<80xi32, #tpu.memory_space<vmem>>
        %dma_wait3A_305 = arith.constant 0 : i32
        %dma_wait3A_306 = arith.constant 0 : i32
        %dma_wait3A_307 = tpu.memref_slice %arg15[%dma_wait3A_305, %dma_wait3A_306] : memref<10240x128xf32, #tpu.memory_space<vmem_shared>> -> memref<10240x128xf32, #tpu.memory_space<vmem_shared>>
        %dma_wait3A_308 = tpu.memref_slice %arg20[%dma_wait3A_297] : memref<2x!tpu.dma_semaphore, #tpu.memory_space<semaphore_mem>> -> memref<1x!tpu.dma_semaphore, #tpu.memory_space<semaphore_mem>>
        %dma_wait3A_309 = tpu.memref_squeeze %dma_wait3A_308 : memref<1x!tpu.dma_semaphore, #tpu.memory_space<semaphore_mem>> -> memref<!tpu.dma_semaphore, #tpu.memory_space<semaphore_mem>>
        tpu.wait_indirect_dma semaphore(%dma_wait3A_309 : memref<!tpu.dma_semaphore, #tpu.memory_space<semaphore_mem>>) src(%dma_wait3A_301 : memref<80x128xf32, #tpu.memory_space<vmem>>) dst(%dma_wait3A_307 : memref<10240x128xf32, #tpu.memory_space<vmem_shared>>)
        %dma_wait3A_310 = arith.constant 1 : i32
        %dma_wait3A_311 = arith.constant 3 : i32
        %dma_wait3A_312 = arith.constant 2 : i32
        %dma_wait3A_313 = arith.constant 1 : i32
        %dma_wait3A_314 = arith.constant 0 : i32
        %dma_wait3A_315 = arith.constant 0 : i32
        %dma_wait3A_316 = tpu.memref_slice %arg13[%dma_wait3A_310, %dma_wait3A_314, %dma_wait3A_315] : memref<2x80x128xf32, #tpu.memory_space<vmem>> -> memref<1x80x128xf32, #tpu.memory_space<vmem>>
        %dma_wait3A_317 = tpu.memref_squeeze %dma_wait3A_316 : memref<1x80x128xf32, #tpu.memory_space<vmem>> -> memref<80x128xf32, #tpu.memory_space<vmem>>
        %dma_wait3A_318 = arith.constant 0 : i32
        %dma_wait3A_319 = tpu.memref_slice %arg11[%dma_wait3A_311, %dma_wait3A_312, %dma_wait3A_318] : memref<4x3x80xi32, #tpu.memory_space<vmem>> -> memref<1x1x80xi32, #tpu.memory_space<vmem>>
        %dma_wait3A_320 = tpu.memref_squeeze %dma_wait3A_319 : memref<1x1x80xi32, #tpu.memory_space<vmem>> -> memref<80xi32, #tpu.memory_space<vmem>>
        %dma_wait3A_321 = arith.constant 0 : i32
        %dma_wait3A_322 = arith.constant 0 : i32
        %dma_wait3A_323 = tpu.memref_slice %arg15[%dma_wait3A_321, %dma_wait3A_322] : memref<10240x128xf32, #tpu.memory_space<vmem_shared>> -> memref<10240x128xf32, #tpu.memory_space<vmem_shared>>
        %dma_wait3A_324 = tpu.memref_slice %arg20[%dma_wait3A_313] : memref<2x!tpu.dma_semaphore, #tpu.memory_space<semaphore_mem>> -> memref<1x!tpu.dma_semaphore, #tpu.memory_space<semaphore_mem>>
        %dma_wait3A_325 = tpu.memref_squeeze %dma_wait3A_324 : memref<1x!tpu.dma_semaphore, #tpu.memory_space<semaphore_mem>> -> memref<!tpu.dma_semaphore, #tpu.memory_space<semaphore_mem>>
        tpu.wait_indirect_dma semaphore(%dma_wait3A_325 : memref<!tpu.dma_semaphore, #tpu.memory_space<semaphore_mem>>) src(%dma_wait3A_317 : memref<80x128xf32, #tpu.memory_space<vmem>>) dst(%dma_wait3A_323 : memref<10240x128xf32, #tpu.memory_space<vmem_shared>>)
        %dma_wait3A_326 = arith.constant 3 : i32
        %dma_wait3A_327 = arith.constant 2 : i32
        %dma_wait3A_328 = arith.constant 1 : i32
        %dma_wait3A_329 = arith.constant 0 : i32
        %dma_wait3A_330 = tpu.memref_slice %arg11[%dma_wait3A_326, %dma_wait3A_327, %dma_wait3A_329] : memref<4x3x80xi32, #tpu.memory_space<vmem>> -> memref<1x1x80xi32, #tpu.memory_space<vmem>>
        %dma_wait3A_331 = tpu.memref_squeeze %dma_wait3A_330 : memref<1x1x80xi32, #tpu.memory_space<vmem>> -> memref<80xi32, #tpu.memory_space<vmem>>
        %dma_wait3A_332 = arith.constant 0 : i32
        %dma_wait3A_333 = tpu.memref_slice %arg16[%dma_wait3A_332] : memref<10240xf32, #tpu.memory_space<vmem_shared>> -> memref<10240xf32, #tpu.memory_space<vmem_shared>>
        %dma_wait3A_334 = tpu.memref_slice %arg20[%dma_wait3A_328] : memref<2x!tpu.dma_semaphore, #tpu.memory_space<semaphore_mem>> -> memref<1x!tpu.dma_semaphore, #tpu.memory_space<semaphore_mem>>
        %dma_wait3A_335 = tpu.memref_squeeze %dma_wait3A_334 : memref<1x!tpu.dma_semaphore, #tpu.memory_space<semaphore_mem>> -> memref<!tpu.dma_semaphore, #tpu.memory_space<semaphore_mem>>
        tpu.wait_indirect_dma semaphore(%dma_wait3A_335 : memref<!tpu.dma_semaphore, #tpu.memory_space<semaphore_mem>>) src(%arg14 : memref<80xf32, #tpu.memory_space<vmem>>) dst(%dma_wait3A_333 : memref<10240xf32, #tpu.memory_space<vmem_shared>>)
      } else {
      }
      %add3A_174 = arith.constant 4 : i32
      %add3A_175 = arith.addi %add3A_168, %add3A_174 : i32
      %sub3A = arith.constant 1 : i32
      %sub3A_176 = arith.subi %add3A_175, %sub3A : i32
      %lt3A = arith.constant 125 : i32
      %lt3A_177 = arith.cmpi slt, %sub3A_176, %lt3A : i32
      %convert_element_type3A_178 = arith.extui %lt3A_177 : i1 to i32
      %cond3A_179 = arith.constant 0 : i32
      %cond3A_180 = arith.cmpi ne, %convert_element_type3A_178, %cond3A_179 : i32
      scf.if %cond3A_180 {
        %add3A_292 = arith.constant 4 : i32
        %add3A_293 = arith.addi %add3A_168, %add3A_292 : i32
        %sub3A_294 = arith.constant 1 : i32
        %sub3A_295 = arith.subi %add3A_293, %sub3A_294 : i32
        %add3A_296 = arith.addi %mul3A_4, %sub3A_295 : i32
        %dma_start3A_297 = arith.constant 3 : i32
        %dma_start3A_298 = arith.constant 3 : i32
        %dma_start3A_299 = arith.constant 0 : i32
        %dma_start3A_300 = arith.constant 0 : i32
        %dma_start3A_301 = tpu.memref_slice %arg11[%dma_start3A_297, %dma_start3A_299, %dma_start3A_300] : memref<4x3x80xi32, #tpu.memory_space<vmem>> -> memref<1x3x80xi32, #tpu.memory_space<vmem>>
        %dma_start3A_302 = tpu.memref_squeeze %dma_start3A_301 : memref<1x3x80xi32, #tpu.memory_space<vmem>> -> memref<3x80xi32, #tpu.memory_space<vmem>>
        %dma_start3A_303 = arith.constant 0 : i32
        %dma_start3A_304 = arith.constant 0 : i32
        %dma_start3A_305 = tpu.memref_slice %arg4[%add3A_296, %dma_start3A_303, %dma_start3A_304] : memref<4000x3x80xi32, #tpu.memory_space<hbm>> -> memref<1x3x80xi32, #tpu.memory_space<hbm>>
        %dma_start3A_306 = tpu.memref_squeeze %dma_start3A_305 : memref<1x3x80xi32, #tpu.memory_space<hbm>> -> memref<3x80xi32, #tpu.memory_space<hbm>>
        %dma_start3A_307 = tpu.memref_slice %arg17[%dma_start3A_298] : memref<4x!tpu.dma_semaphore, #tpu.memory_space<semaphore_mem>> -> memref<1x!tpu.dma_semaphore, #tpu.memory_space<semaphore_mem>>
        %dma_start3A_308 = tpu.memref_squeeze %dma_start3A_307 : memref<1x!tpu.dma_semaphore, #tpu.memory_space<semaphore_mem>> -> memref<!tpu.dma_semaphore, #tpu.memory_space<semaphore_mem>>
        %dma_start3A_309 = arith.constant 0 : i32
        %dma_start3A_310 = arith.constant 0 : i32
        %dma_start3A_311 = tpu.memref_slice %arg11[%dma_start3A_297, %dma_start3A_309, %dma_start3A_310] : memref<4x3x80xi32, #tpu.memory_space<vmem>> -> memref<1x3x80xi32, #tpu.memory_space<vmem>>
        %dma_start3A_312 = tpu.memref_squeeze %dma_start3A_311 : memref<1x3x80xi32, #tpu.memory_space<vmem>> -> memref<3x80xi32, #tpu.memory_space<vmem>>
        %dma_start3A_313 = arith.constant 0 : i32
        %dma_start3A_314 = arith.constant 0 : i32
        %dma_start3A_315 = tpu.memref_slice %arg4[%add3A_296, %dma_start3A_313, %dma_start3A_314] : memref<4000x3x80xi32, #tpu.memory_space<hbm>> -> memref<1x3x80xi32, #tpu.memory_space<hbm>>
        %dma_start3A_316 = tpu.memref_squeeze %dma_start3A_315 : memref<1x3x80xi32, #tpu.memory_space<hbm>> -> memref<3x80xi32, #tpu.memory_space<hbm>>
        tpu.enqueue_dma source(%dma_start3A_316 : memref<3x80xi32, #tpu.memory_space<hbm>>) target(%dma_start3A_312 : memref<3x80xi32, #tpu.memory_space<vmem>>) target_semaphore(%dma_start3A_308 : memref<!tpu.dma_semaphore, #tpu.memory_space<semaphore_mem>>)
      } else {
      }
      %add3A_181 = arith.constant 1 : i32
      %add3A_182 = arith.addi %add3A_168, %add3A_181 : i32
      %lt3A_183 = arith.constant 125 : i32
      %lt3A_184 = arith.cmpi slt, %add3A_182, %lt3A_183 : i32
      %convert_element_type3A_185 = arith.extui %lt3A_184 : i1 to i32
      %cond3A_186 = arith.constant 0 : i32
      %cond3A_187 = arith.cmpi ne, %convert_element_type3A_185, %cond3A_186 : i32
      scf.if %cond3A_187 {
        %add3A_292 = arith.constant 1 : i32
        %add3A_293 = arith.addi %add3A_168, %add3A_292 : i32
        %add3A_294 = arith.addi %mul3A_4, %add3A_293 : i32
        %dma_wait3A_295 = arith.constant 1 : i32
        %dma_wait3A_296 = arith.constant 1 : i32
        %dma_wait3A_297 = arith.constant 0 : i32
        %dma_wait3A_298 = arith.constant 0 : i32
        %dma_wait3A_299 = tpu.memref_slice %arg11[%dma_wait3A_295, %dma_wait3A_297, %dma_wait3A_298] : memref<4x3x80xi32, #tpu.memory_space<vmem>> -> memref<1x3x80xi32, #tpu.memory_space<vmem>>
        %dma_wait3A_300 = tpu.memref_squeeze %dma_wait3A_299 : memref<1x3x80xi32, #tpu.memory_space<vmem>> -> memref<3x80xi32, #tpu.memory_space<vmem>>
        %dma_wait3A_301 = arith.constant 0 : i32
        %dma_wait3A_302 = arith.constant 0 : i32
        %dma_wait3A_303 = tpu.memref_slice %arg4[%add3A_294, %dma_wait3A_301, %dma_wait3A_302] : memref<4000x3x80xi32, #tpu.memory_space<hbm>> -> memref<1x3x80xi32, #tpu.memory_space<hbm>>
        %dma_wait3A_304 = tpu.memref_squeeze %dma_wait3A_303 : memref<1x3x80xi32, #tpu.memory_space<hbm>> -> memref<3x80xi32, #tpu.memory_space<hbm>>
        %dma_wait3A_305 = tpu.memref_slice %arg17[%dma_wait3A_296] : memref<4x!tpu.dma_semaphore, #tpu.memory_space<semaphore_mem>> -> memref<1x!tpu.dma_semaphore, #tpu.memory_space<semaphore_mem>>
        %dma_wait3A_306 = tpu.memref_squeeze %dma_wait3A_305 : memref<1x!tpu.dma_semaphore, #tpu.memory_space<semaphore_mem>> -> memref<!tpu.dma_semaphore, #tpu.memory_space<semaphore_mem>>
        %dma_wait3A_307 = arith.constant 0 : i32
        %dma_wait3A_308 = arith.constant 0 : i32
        %dma_wait3A_309 = tpu.memref_slice %arg11[%dma_wait3A_295, %dma_wait3A_307, %dma_wait3A_308] : memref<4x3x80xi32, #tpu.memory_space<vmem>> -> memref<1x3x80xi32, #tpu.memory_space<vmem>>
        %dma_wait3A_310 = tpu.memref_squeeze %dma_wait3A_309 : memref<1x3x80xi32, #tpu.memory_space<vmem>> -> memref<3x80xi32, #tpu.memory_space<vmem>>
        %dma_wait3A_311 = arith.constant 0 : i32
        %dma_wait3A_312 = arith.constant 0 : i32
        %dma_wait3A_313 = tpu.memref_slice %arg4[%add3A_294, %dma_wait3A_311, %dma_wait3A_312] : memref<4000x3x80xi32, #tpu.memory_space<hbm>> -> memref<1x3x80xi32, #tpu.memory_space<hbm>>
        %dma_wait3A_314 = tpu.memref_squeeze %dma_wait3A_313 : memref<1x3x80xi32, #tpu.memory_space<hbm>> -> memref<3x80xi32, #tpu.memory_space<hbm>>
        tpu.wait_dma2 semaphore(%dma_wait3A_306 : memref<!tpu.dma_semaphore, #tpu.memory_space<semaphore_mem>>) src(%dma_wait3A_314 : memref<3x80xi32, #tpu.memory_space<hbm>>) dst(%dma_wait3A_310 : memref<3x80xi32, #tpu.memory_space<vmem>>)
        %add3A_315 = arith.constant 1 : i32
        %add3A_316 = arith.addi %add3A_168, %add3A_315 : i32
        %dma_start3A_317 = arith.constant 1 : i32
        %dma_start3A_318 = arith.constant 0 : i32
        %dma_start3A_319 = arith.constant 1 : i32
        %dma_start3A_320 = arith.constant 1 : i32
        %dma_start3A_321 = arith.constant 0 : i32
        %dma_start3A_322 = arith.constant 0 : i32
        %dma_start3A_323 = tpu.memref_slice %arg12[%dma_start3A_319, %dma_start3A_321, %dma_start3A_322] : memref<2x80x128xf32, #tpu.memory_space<vmem>> -> memref<1x80x128xf32, #tpu.memory_space<vmem>>
        %dma_start3A_324 = tpu.memref_squeeze %dma_start3A_323 : memref<1x80x128xf32, #tpu.memory_space<vmem>> -> memref<80x128xf32, #tpu.memory_space<vmem>>
        %dma_start3A_325 = arith.constant 0 : i32
        %dma_start3A_326 = tpu.memref_slice %arg11[%dma_start3A_317, %dma_start3A_318, %dma_start3A_325] : memref<4x3x80xi32, #tpu.memory_space<vmem>> -> memref<1x1x80xi32, #tpu.memory_space<vmem>>
        %dma_start3A_327 = tpu.memref_squeeze %dma_start3A_326 : memref<1x1x80xi32, #tpu.memory_space<vmem>> -> memref<80xi32, #tpu.memory_space<vmem>>
        %dma_start3A_328 = arith.constant 0 : i32
        %dma_start3A_329 = arith.constant 0 : i32
        %dma_start3A_330 = tpu.memref_slice %arg2[%dma_start3A_328, %dma_start3A_329] : memref<10240x128xf32, #tpu.memory_space<hbm>> -> memref<10240x128xf32, #tpu.memory_space<hbm>>
        %dma_start3A_331 = tpu.memref_slice %arg18[%dma_start3A_320] : memref<2x!tpu.dma_semaphore, #tpu.memory_space<semaphore_mem>> -> memref<1x!tpu.dma_semaphore, #tpu.memory_space<semaphore_mem>>
        %dma_start3A_332 = tpu.memref_squeeze %dma_start3A_331 : memref<1x!tpu.dma_semaphore, #tpu.memory_space<semaphore_mem>> -> memref<!tpu.dma_semaphore, #tpu.memory_space<semaphore_mem>>
        tpu.enqueue_indirect_dma source(%dma_start3A_330 : memref<10240x128xf32, #tpu.memory_space<hbm>>) target(%dma_start3A_324 : memref<80x128xf32, #tpu.memory_space<vmem>>) offsets(%dma_start3A_327 : memref<80xi32, #tpu.memory_space<vmem>>) semaphore(%dma_start3A_332 : memref<!tpu.dma_semaphore, #tpu.memory_space<semaphore_mem>>)
        %dma_start3A_333 = arith.constant 1 : i32
        %dma_start3A_334 = arith.constant 1 : i32
        %dma_start3A_335 = arith.constant 1 : i32
        %dma_start3A_336 = arith.constant 1 : i32
        %dma_start3A_337 = arith.constant 0 : i32
        %dma_start3A_338 = arith.constant 0 : i32
        %dma_start3A_339 = tpu.memref_slice %arg13[%dma_start3A_335, %dma_start3A_337, %dma_start3A_338] : memref<2x80x128xf32, #tpu.memory_space<vmem>> -> memref<1x80x128xf32, #tpu.memory_space<vmem>>
        %dma_start3A_340 = tpu.memref_squeeze %dma_start3A_339 : memref<1x80x128xf32, #tpu.memory_space<vmem>> -> memref<80x128xf32, #tpu.memory_space<vmem>>
        %dma_start3A_341 = arith.constant 0 : i32
        %dma_start3A_342 = tpu.memref_slice %arg11[%dma_start3A_333, %dma_start3A_334, %dma_start3A_341] : memref<4x3x80xi32, #tpu.memory_space<vmem>> -> memref<1x1x80xi32, #tpu.memory_space<vmem>>
        %dma_start3A_343 = tpu.memref_squeeze %dma_start3A_342 : memref<1x1x80xi32, #tpu.memory_space<vmem>> -> memref<80xi32, #tpu.memory_space<vmem>>
        %dma_start3A_344 = arith.constant 0 : i32
        %dma_start3A_345 = arith.constant 0 : i32
        %dma_start3A_346 = tpu.memref_slice %arg3[%dma_start3A_344, %dma_start3A_345] : memref<320000x128xf32, #tpu.memory_space<hbm>> -> memref<320000x128xf32, #tpu.memory_space<hbm>>
        %dma_start3A_347 = tpu.memref_slice %arg19[%dma_start3A_336] : memref<2x!tpu.dma_semaphore, #tpu.memory_space<semaphore_mem>> -> memref<1x!tpu.dma_semaphore, #tpu.memory_space<semaphore_mem>>
        %dma_start3A_348 = tpu.memref_squeeze %dma_start3A_347 : memref<1x!tpu.dma_semaphore, #tpu.memory_space<semaphore_mem>> -> memref<!tpu.dma_semaphore, #tpu.memory_space<semaphore_mem>>
        tpu.enqueue_indirect_dma source(%dma_start3A_346 : memref<320000x128xf32, #tpu.memory_space<hbm>>) target(%dma_start3A_340 : memref<80x128xf32, #tpu.memory_space<vmem>>) offsets(%dma_start3A_343 : memref<80xi32, #tpu.memory_space<vmem>>) semaphore(%dma_start3A_348 : memref<!tpu.dma_semaphore, #tpu.memory_space<semaphore_mem>>)
      } else {
      }
      %lt3A_188 = arith.constant 125 : i32
      %lt3A_189 = arith.cmpi slt, %add3A_168, %lt3A_188 : i32
      %convert_element_type3A_190 = arith.extui %lt3A_189 : i1 to i32
      %cond3A_191 = arith.constant 0 : i32
      %cond3A_192 = arith.cmpi ne, %convert_element_type3A_190, %cond3A_191 : i32
      scf.if %cond3A_192 {
        %dma_wait3A_292 = arith.constant 0 : i32
        %dma_wait3A_293 = arith.constant 0 : i32
        %dma_wait3A_294 = arith.constant 0 : i32
        %dma_wait3A_295 = arith.constant 0 : i32
        %dma_wait3A_296 = arith.constant 0 : i32
        %dma_wait3A_297 = arith.constant 0 : i32
        %dma_wait3A_298 = tpu.memref_slice %arg12[%dma_wait3A_294, %dma_wait3A_296, %dma_wait3A_297] : memref<2x80x128xf32, #tpu.memory_space<vmem>> -> memref<1x80x128xf32, #tpu.memory_space<vmem>>
        %dma_wait3A_299 = tpu.memref_squeeze %dma_wait3A_298 : memref<1x80x128xf32, #tpu.memory_space<vmem>> -> memref<80x128xf32, #tpu.memory_space<vmem>>
        %dma_wait3A_300 = arith.constant 0 : i32
        %dma_wait3A_301 = tpu.memref_slice %arg11[%dma_wait3A_292, %dma_wait3A_293, %dma_wait3A_300] : memref<4x3x80xi32, #tpu.memory_space<vmem>> -> memref<1x1x80xi32, #tpu.memory_space<vmem>>
        %dma_wait3A_302 = tpu.memref_squeeze %dma_wait3A_301 : memref<1x1x80xi32, #tpu.memory_space<vmem>> -> memref<80xi32, #tpu.memory_space<vmem>>
        %dma_wait3A_303 = arith.constant 0 : i32
        %dma_wait3A_304 = arith.constant 0 : i32
        %dma_wait3A_305 = tpu.memref_slice %arg2[%dma_wait3A_303, %dma_wait3A_304] : memref<10240x128xf32, #tpu.memory_space<hbm>> -> memref<10240x128xf32, #tpu.memory_space<hbm>>
        %dma_wait3A_306 = tpu.memref_slice %arg18[%dma_wait3A_295] : memref<2x!tpu.dma_semaphore, #tpu.memory_space<semaphore_mem>> -> memref<1x!tpu.dma_semaphore, #tpu.memory_space<semaphore_mem>>
        %dma_wait3A_307 = tpu.memref_squeeze %dma_wait3A_306 : memref<1x!tpu.dma_semaphore, #tpu.memory_space<semaphore_mem>> -> memref<!tpu.dma_semaphore, #tpu.memory_space<semaphore_mem>>
        tpu.wait_indirect_dma semaphore(%dma_wait3A_307 : memref<!tpu.dma_semaphore, #tpu.memory_space<semaphore_mem>>) src(%dma_wait3A_305 : memref<10240x128xf32, #tpu.memory_space<hbm>>) dst(%dma_wait3A_299 : memref<80x128xf32, #tpu.memory_space<vmem>>)
        %dma_wait3A_308 = arith.constant 0 : i32
        %dma_wait3A_309 = arith.constant 1 : i32
        %dma_wait3A_310 = arith.constant 0 : i32
        %dma_wait3A_311 = arith.constant 0 : i32
        %dma_wait3A_312 = arith.constant 0 : i32
        %dma_wait3A_313 = arith.constant 0 : i32
        %dma_wait3A_314 = tpu.memref_slice %arg13[%dma_wait3A_310, %dma_wait3A_312, %dma_wait3A_313] : memref<2x80x128xf32, #tpu.memory_space<vmem>> -> memref<1x80x128xf32, #tpu.memory_space<vmem>>
        %dma_wait3A_315 = tpu.memref_squeeze %dma_wait3A_314 : memref<1x80x128xf32, #tpu.memory_space<vmem>> -> memref<80x128xf32, #tpu.memory_space<vmem>>
        %dma_wait3A_316 = arith.constant 0 : i32
        %dma_wait3A_317 = tpu.memref_slice %arg11[%dma_wait3A_308, %dma_wait3A_309, %dma_wait3A_316] : memref<4x3x80xi32, #tpu.memory_space<vmem>> -> memref<1x1x80xi32, #tpu.memory_space<vmem>>
        %dma_wait3A_318 = tpu.memref_squeeze %dma_wait3A_317 : memref<1x1x80xi32, #tpu.memory_space<vmem>> -> memref<80xi32, #tpu.memory_space<vmem>>
        %dma_wait3A_319 = arith.constant 0 : i32
        %dma_wait3A_320 = arith.constant 0 : i32
        %dma_wait3A_321 = tpu.memref_slice %arg3[%dma_wait3A_319, %dma_wait3A_320] : memref<320000x128xf32, #tpu.memory_space<hbm>> -> memref<320000x128xf32, #tpu.memory_space<hbm>>
        %dma_wait3A_322 = tpu.memref_slice %arg19[%dma_wait3A_311] : memref<2x!tpu.dma_semaphore, #tpu.memory_space<semaphore_mem>> -> memref<1x!tpu.dma_semaphore, #tpu.memory_space<semaphore_mem>>
        %dma_wait3A_323 = tpu.memref_squeeze %dma_wait3A_322 : memref<1x!tpu.dma_semaphore, #tpu.memory_space<semaphore_mem>> -> memref<!tpu.dma_semaphore, #tpu.memory_space<semaphore_mem>>
        tpu.wait_indirect_dma semaphore(%dma_wait3A_323 : memref<!tpu.dma_semaphore, #tpu.memory_space<semaphore_mem>>) src(%dma_wait3A_321 : memref<320000x128xf32, #tpu.memory_space<hbm>>) dst(%dma_wait3A_315 : memref<80x128xf32, #tpu.memory_space<vmem>>)
        %dma_start3A_324 = arith.constant 0 : i32
        %dma_start3A_325 = arith.constant 0 : i32
        %dma_start3A_326 = arith.constant 2 : i32
        %dma_start3A_327 = arith.constant 0 : i32
        %dma_start3A_328 = arith.constant 0 : i32
        %dma_start3A_329 = arith.constant 0 : i32
        %dma_start3A_330 = tpu.memref_slice %arg12[%dma_start3A_324, %dma_start3A_328, %dma_start3A_329] : memref<2x80x128xf32, #tpu.memory_space<vmem>> -> memref<1x80x128xf32, #tpu.memory_space<vmem>>
        %dma_start3A_331 = tpu.memref_squeeze %dma_start3A_330 : memref<1x80x128xf32, #tpu.memory_space<vmem>> -> memref<80x128xf32, #tpu.memory_space<vmem>>
        %dma_start3A_332 = arith.constant 0 : i32
        %dma_start3A_333 = tpu.memref_slice %arg11[%dma_start3A_325, %dma_start3A_326, %dma_start3A_332] : memref<4x3x80xi32, #tpu.memory_space<vmem>> -> memref<1x1x80xi32, #tpu.memory_space<vmem>>
        %dma_start3A_334 = tpu.memref_squeeze %dma_start3A_333 : memref<1x1x80xi32, #tpu.memory_space<vmem>> -> memref<80xi32, #tpu.memory_space<vmem>>
        %dma_start3A_335 = arith.constant 0 : i32
        %dma_start3A_336 = arith.constant 0 : i32
        %dma_start3A_337 = tpu.memref_slice %arg15[%dma_start3A_335, %dma_start3A_336] : memref<10240x128xf32, #tpu.memory_space<vmem_shared>> -> memref<10240x128xf32, #tpu.memory_space<vmem_shared>>
        %dma_start3A_338 = tpu.memref_slice %arg20[%dma_start3A_327] : memref<2x!tpu.dma_semaphore, #tpu.memory_space<semaphore_mem>> -> memref<1x!tpu.dma_semaphore, #tpu.memory_space<semaphore_mem>>
        %dma_start3A_339 = tpu.memref_squeeze %dma_start3A_338 : memref<1x!tpu.dma_semaphore, #tpu.memory_space<semaphore_mem>> -> memref<!tpu.dma_semaphore, #tpu.memory_space<semaphore_mem>>
        tpu.enqueue_indirect_dma source(%dma_start3A_331 : memref<80x128xf32, #tpu.memory_space<vmem>>) target(%dma_start3A_337 : memref<10240x128xf32, #tpu.memory_space<vmem_shared>>) offsets(%dma_start3A_334 : memref<80xi32, #tpu.memory_space<vmem>>) semaphore(%dma_start3A_339 : memref<!tpu.dma_semaphore, #tpu.memory_space<semaphore_mem>>) {add = true}
        %dma_start3A_340 = arith.constant 0 : i32
        %dma_start3A_341 = arith.constant 0 : i32
        %dma_start3A_342 = arith.constant 2 : i32
        %dma_start3A_343 = arith.constant 0 : i32
        %dma_start3A_344 = arith.constant 0 : i32
        %dma_start3A_345 = arith.constant 0 : i32
        %dma_start3A_346 = tpu.memref_slice %arg13[%dma_start3A_340, %dma_start3A_344, %dma_start3A_345] : memref<2x80x128xf32, #tpu.memory_space<vmem>> -> memref<1x80x128xf32, #tpu.memory_space<vmem>>
        %dma_start3A_347 = tpu.memref_squeeze %dma_start3A_346 : memref<1x80x128xf32, #tpu.memory_space<vmem>> -> memref<80x128xf32, #tpu.memory_space<vmem>>
        %dma_start3A_348 = arith.constant 0 : i32
        %dma_start3A_349 = tpu.memref_slice %arg11[%dma_start3A_341, %dma_start3A_342, %dma_start3A_348] : memref<4x3x80xi32, #tpu.memory_space<vmem>> -> memref<1x1x80xi32, #tpu.memory_space<vmem>>
        %dma_start3A_350 = tpu.memref_squeeze %dma_start3A_349 : memref<1x1x80xi32, #tpu.memory_space<vmem>> -> memref<80xi32, #tpu.memory_space<vmem>>
        %dma_start3A_351 = arith.constant 0 : i32
        %dma_start3A_352 = arith.constant 0 : i32
        %dma_start3A_353 = tpu.memref_slice %arg15[%dma_start3A_351, %dma_start3A_352] : memref<10240x128xf32, #tpu.memory_space<vmem_shared>> -> memref<10240x128xf32, #tpu.memory_space<vmem_shared>>
        %dma_start3A_354 = tpu.memref_slice %arg20[%dma_start3A_343] : memref<2x!tpu.dma_semaphore, #tpu.memory_space<semaphore_mem>> -> memref<1x!tpu.dma_semaphore, #tpu.memory_space<semaphore_mem>>
        %dma_start3A_355 = tpu.memref_squeeze %dma_start3A_354 : memref<1x!tpu.dma_semaphore, #tpu.memory_space<semaphore_mem>> -> memref<!tpu.dma_semaphore, #tpu.memory_space<semaphore_mem>>
        tpu.enqueue_indirect_dma source(%dma_start3A_347 : memref<80x128xf32, #tpu.memory_space<vmem>>) target(%dma_start3A_353 : memref<10240x128xf32, #tpu.memory_space<vmem_shared>>) offsets(%dma_start3A_350 : memref<80xi32, #tpu.memory_space<vmem>>) semaphore(%dma_start3A_355 : memref<!tpu.dma_semaphore, #tpu.memory_space<semaphore_mem>>) {add = true}
        %dma_start3A_356 = arith.constant 0 : i32
        %dma_start3A_357 = arith.constant 2 : i32
        %dma_start3A_358 = arith.constant 0 : i32
        %dma_start3A_359 = arith.constant 0 : i32
        %dma_start3A_360 = tpu.memref_slice %arg11[%dma_start3A_356, %dma_start3A_357, %dma_start3A_359] : memref<4x3x80xi32, #tpu.memory_space<vmem>> -> memref<1x1x80xi32, #tpu.memory_space<vmem>>
        %dma_start3A_361 = tpu.memref_squeeze %dma_start3A_360 : memref<1x1x80xi32, #tpu.memory_space<vmem>> -> memref<80xi32, #tpu.memory_space<vmem>>
        %dma_start3A_362 = arith.constant 0 : i32
        %dma_start3A_363 = tpu.memref_slice %arg16[%dma_start3A_362] : memref<10240xf32, #tpu.memory_space<vmem_shared>> -> memref<10240xf32, #tpu.memory_space<vmem_shared>>
        %dma_start3A_364 = tpu.memref_slice %arg20[%dma_start3A_358] : memref<2x!tpu.dma_semaphore, #tpu.memory_space<semaphore_mem>> -> memref<1x!tpu.dma_semaphore, #tpu.memory_space<semaphore_mem>>
        %dma_start3A_365 = tpu.memref_squeeze %dma_start3A_364 : memref<1x!tpu.dma_semaphore, #tpu.memory_space<semaphore_mem>> -> memref<!tpu.dma_semaphore, #tpu.memory_space<semaphore_mem>>
        tpu.enqueue_indirect_dma source(%arg14 : memref<80xf32, #tpu.memory_space<vmem>>) target(%dma_start3A_363 : memref<10240xf32, #tpu.memory_space<vmem_shared>>) offsets(%dma_start3A_361 : memref<80xi32, #tpu.memory_space<vmem>>) semaphore(%dma_start3A_365 : memref<!tpu.dma_semaphore, #tpu.memory_space<semaphore_mem>>) {add = true}
      } else {
      }
      %mul3A_193 = arith.constant 4 : i32
      %mul3A_194 = arith.muli %scan3A_164, %mul3A_193 : i32
      %add3A_195 = arith.constant 1 : i32
      %add3A_196 = arith.addi %mul3A_194, %add3A_195 : i32
      %ge3A_197 = arith.constant 1 : i32
      %ge3A_198 = arith.cmpi sge, %add3A_196, %ge3A_197 : i32
      %le3A_199 = arith.constant 125 : i32
      %le3A_200 = arith.cmpi sle, %add3A_196, %le3A_199 : i32
      %and3A_201 = arith.andi %ge3A_198, %le3A_200 : i1
      %convert_element_type3A_202 = arith.extui %and3A_201 : i1 to i32
      %cond3A_203 = arith.constant 0 : i32
      %cond3A_204 = arith.cmpi ne, %convert_element_type3A_202, %cond3A_203 : i32
      scf.if %cond3A_204 {
        %sub3A_292 = arith.constant 1 : i32
        %sub3A_293 = arith.subi %add3A_196, %sub3A_292 : i32
        %dma_wait3A_294 = arith.constant 0 : i32
        %dma_wait3A_295 = arith.constant 0 : i32
        %dma_wait3A_296 = arith.constant 2 : i32
        %dma_wait3A_297 = arith.constant 0 : i32
        %dma_wait3A_298 = arith.constant 0 : i32
        %dma_wait3A_299 = arith.constant 0 : i32
        %dma_wait3A_300 = tpu.memref_slice %arg12[%dma_wait3A_294, %dma_wait3A_298, %dma_wait3A_299] : memref<2x80x128xf32, #tpu.memory_space<vmem>> -> memref<1x80x128xf32, #tpu.memory_space<vmem>>
        %dma_wait3A_301 = tpu.memref_squeeze %dma_wait3A_300 : memref<1x80x128xf32, #tpu.memory_space<vmem>> -> memref<80x128xf32, #tpu.memory_space<vmem>>
        %dma_wait3A_302 = arith.constant 0 : i32
        %dma_wait3A_303 = tpu.memref_slice %arg11[%dma_wait3A_295, %dma_wait3A_296, %dma_wait3A_302] : memref<4x3x80xi32, #tpu.memory_space<vmem>> -> memref<1x1x80xi32, #tpu.memory_space<vmem>>
        %dma_wait3A_304 = tpu.memref_squeeze %dma_wait3A_303 : memref<1x1x80xi32, #tpu.memory_space<vmem>> -> memref<80xi32, #tpu.memory_space<vmem>>
        %dma_wait3A_305 = arith.constant 0 : i32
        %dma_wait3A_306 = arith.constant 0 : i32
        %dma_wait3A_307 = tpu.memref_slice %arg15[%dma_wait3A_305, %dma_wait3A_306] : memref<10240x128xf32, #tpu.memory_space<vmem_shared>> -> memref<10240x128xf32, #tpu.memory_space<vmem_shared>>
        %dma_wait3A_308 = tpu.memref_slice %arg20[%dma_wait3A_297] : memref<2x!tpu.dma_semaphore, #tpu.memory_space<semaphore_mem>> -> memref<1x!tpu.dma_semaphore, #tpu.memory_space<semaphore_mem>>
        %dma_wait3A_309 = tpu.memref_squeeze %dma_wait3A_308 : memref<1x!tpu.dma_semaphore, #tpu.memory_space<semaphore_mem>> -> memref<!tpu.dma_semaphore, #tpu.memory_space<semaphore_mem>>
        tpu.wait_indirect_dma semaphore(%dma_wait3A_309 : memref<!tpu.dma_semaphore, #tpu.memory_space<semaphore_mem>>) src(%dma_wait3A_301 : memref<80x128xf32, #tpu.memory_space<vmem>>) dst(%dma_wait3A_307 : memref<10240x128xf32, #tpu.memory_space<vmem_shared>>)
        %dma_wait3A_310 = arith.constant 0 : i32
        %dma_wait3A_311 = arith.constant 0 : i32
        %dma_wait3A_312 = arith.constant 2 : i32
        %dma_wait3A_313 = arith.constant 0 : i32
        %dma_wait3A_314 = arith.constant 0 : i32
        %dma_wait3A_315 = arith.constant 0 : i32
        %dma_wait3A_316 = tpu.memref_slice %arg13[%dma_wait3A_310, %dma_wait3A_314, %dma_wait3A_315] : memref<2x80x128xf32, #tpu.memory_space<vmem>> -> memref<1x80x128xf32, #tpu.memory_space<vmem>>
        %dma_wait3A_317 = tpu.memref_squeeze %dma_wait3A_316 : memref<1x80x128xf32, #tpu.memory_space<vmem>> -> memref<80x128xf32, #tpu.memory_space<vmem>>
        %dma_wait3A_318 = arith.constant 0 : i32
        %dma_wait3A_319 = tpu.memref_slice %arg11[%dma_wait3A_311, %dma_wait3A_312, %dma_wait3A_318] : memref<4x3x80xi32, #tpu.memory_space<vmem>> -> memref<1x1x80xi32, #tpu.memory_space<vmem>>
        %dma_wait3A_320 = tpu.memref_squeeze %dma_wait3A_319 : memref<1x1x80xi32, #tpu.memory_space<vmem>> -> memref<80xi32, #tpu.memory_space<vmem>>
        %dma_wait3A_321 = arith.constant 0 : i32
        %dma_wait3A_322 = arith.constant 0 : i32
        %dma_wait3A_323 = tpu.memref_slice %arg15[%dma_wait3A_321, %dma_wait3A_322] : memref<10240x128xf32, #tpu.memory_space<vmem_shared>> -> memref<10240x128xf32, #tpu.memory_space<vmem_shared>>
        %dma_wait3A_324 = tpu.memref_slice %arg20[%dma_wait3A_313] : memref<2x!tpu.dma_semaphore, #tpu.memory_space<semaphore_mem>> -> memref<1x!tpu.dma_semaphore, #tpu.memory_space<semaphore_mem>>
        %dma_wait3A_325 = tpu.memref_squeeze %dma_wait3A_324 : memref<1x!tpu.dma_semaphore, #tpu.memory_space<semaphore_mem>> -> memref<!tpu.dma_semaphore, #tpu.memory_space<semaphore_mem>>
        tpu.wait_indirect_dma semaphore(%dma_wait3A_325 : memref<!tpu.dma_semaphore, #tpu.memory_space<semaphore_mem>>) src(%dma_wait3A_317 : memref<80x128xf32, #tpu.memory_space<vmem>>) dst(%dma_wait3A_323 : memref<10240x128xf32, #tpu.memory_space<vmem_shared>>)
        %dma_wait3A_326 = arith.constant 0 : i32
        %dma_wait3A_327 = arith.constant 2 : i32
        %dma_wait3A_328 = arith.constant 0 : i32
        %dma_wait3A_329 = arith.constant 0 : i32
        %dma_wait3A_330 = tpu.memref_slice %arg11[%dma_wait3A_326, %dma_wait3A_327, %dma_wait3A_329] : memref<4x3x80xi32, #tpu.memory_space<vmem>> -> memref<1x1x80xi32, #tpu.memory_space<vmem>>
        %dma_wait3A_331 = tpu.memref_squeeze %dma_wait3A_330 : memref<1x1x80xi32, #tpu.memory_space<vmem>> -> memref<80xi32, #tpu.memory_space<vmem>>
        %dma_wait3A_332 = arith.constant 0 : i32
        %dma_wait3A_333 = tpu.memref_slice %arg16[%dma_wait3A_332] : memref<10240xf32, #tpu.memory_space<vmem_shared>> -> memref<10240xf32, #tpu.memory_space<vmem_shared>>
        %dma_wait3A_334 = tpu.memref_slice %arg20[%dma_wait3A_328] : memref<2x!tpu.dma_semaphore, #tpu.memory_space<semaphore_mem>> -> memref<1x!tpu.dma_semaphore, #tpu.memory_space<semaphore_mem>>
        %dma_wait3A_335 = tpu.memref_squeeze %dma_wait3A_334 : memref<1x!tpu.dma_semaphore, #tpu.memory_space<semaphore_mem>> -> memref<!tpu.dma_semaphore, #tpu.memory_space<semaphore_mem>>
        tpu.wait_indirect_dma semaphore(%dma_wait3A_335 : memref<!tpu.dma_semaphore, #tpu.memory_space<semaphore_mem>>) src(%arg14 : memref<80xf32, #tpu.memory_space<vmem>>) dst(%dma_wait3A_333 : memref<10240xf32, #tpu.memory_space<vmem_shared>>)
      } else {
      }
      %add3A_205 = arith.constant 4 : i32
      %add3A_206 = arith.addi %add3A_196, %add3A_205 : i32
      %sub3A_207 = arith.constant 1 : i32
      %sub3A_208 = arith.subi %add3A_206, %sub3A_207 : i32
      %lt3A_209 = arith.constant 125 : i32
      %lt3A_210 = arith.cmpi slt, %sub3A_208, %lt3A_209 : i32
      %convert_element_type3A_211 = arith.extui %lt3A_210 : i1 to i32
      %cond3A_212 = arith.constant 0 : i32
      %cond3A_213 = arith.cmpi ne, %convert_element_type3A_211, %cond3A_212 : i32
      scf.if %cond3A_213 {
        %add3A_292 = arith.constant 4 : i32
        %add3A_293 = arith.addi %add3A_196, %add3A_292 : i32
        %sub3A_294 = arith.constant 1 : i32
        %sub3A_295 = arith.subi %add3A_293, %sub3A_294 : i32
        %add3A_296 = arith.addi %mul3A_4, %sub3A_295 : i32
        %dma_start3A_297 = arith.constant 0 : i32
        %dma_start3A_298 = arith.constant 0 : i32
        %dma_start3A_299 = arith.constant 0 : i32
        %dma_start3A_300 = arith.constant 0 : i32
        %dma_start3A_301 = tpu.memref_slice %arg11[%dma_start3A_297, %dma_start3A_299, %dma_start3A_300] : memref<4x3x80xi32, #tpu.memory_space<vmem>> -> memref<1x3x80xi32, #tpu.memory_space<vmem>>
        %dma_start3A_302 = tpu.memref_squeeze %dma_start3A_301 : memref<1x3x80xi32, #tpu.memory_space<vmem>> -> memref<3x80xi32, #tpu.memory_space<vmem>>
        %dma_start3A_303 = arith.constant 0 : i32
        %dma_start3A_304 = arith.constant 0 : i32
        %dma_start3A_305 = tpu.memref_slice %arg4[%add3A_296, %dma_start3A_303, %dma_start3A_304] : memref<4000x3x80xi32, #tpu.memory_space<hbm>> -> memref<1x3x80xi32, #tpu.memory_space<hbm>>
        %dma_start3A_306 = tpu.memref_squeeze %dma_start3A_305 : memref<1x3x80xi32, #tpu.memory_space<hbm>> -> memref<3x80xi32, #tpu.memory_space<hbm>>
        %dma_start3A_307 = tpu.memref_slice %arg17[%dma_start3A_298] : memref<4x!tpu.dma_semaphore, #tpu.memory_space<semaphore_mem>> -> memref<1x!tpu.dma_semaphore, #tpu.memory_space<semaphore_mem>>
        %dma_start3A_308 = tpu.memref_squeeze %dma_start3A_307 : memref<1x!tpu.dma_semaphore, #tpu.memory_space<semaphore_mem>> -> memref<!tpu.dma_semaphore, #tpu.memory_space<semaphore_mem>>
        %dma_start3A_309 = arith.constant 0 : i32
        %dma_start3A_310 = arith.constant 0 : i32
        %dma_start3A_311 = tpu.memref_slice %arg11[%dma_start3A_297, %dma_start3A_309, %dma_start3A_310] : memref<4x3x80xi32, #tpu.memory_space<vmem>> -> memref<1x3x80xi32, #tpu.memory_space<vmem>>
        %dma_start3A_312 = tpu.memref_squeeze %dma_start3A_311 : memref<1x3x80xi32, #tpu.memory_space<vmem>> -> memref<3x80xi32, #tpu.memory_space<vmem>>
        %dma_start3A_313 = arith.constant 0 : i32
        %dma_start3A_314 = arith.constant 0 : i32
        %dma_start3A_315 = tpu.memref_slice %arg4[%add3A_296, %dma_start3A_313, %dma_start3A_314] : memref<4000x3x80xi32, #tpu.memory_space<hbm>> -> memref<1x3x80xi32, #tpu.memory_space<hbm>>
        %dma_start3A_316 = tpu.memref_squeeze %dma_start3A_315 : memref<1x3x80xi32, #tpu.memory_space<hbm>> -> memref<3x80xi32, #tpu.memory_space<hbm>>
        tpu.enqueue_dma source(%dma_start3A_316 : memref<3x80xi32, #tpu.memory_space<hbm>>) target(%dma_start3A_312 : memref<3x80xi32, #tpu.memory_space<vmem>>) target_semaphore(%dma_start3A_308 : memref<!tpu.dma_semaphore, #tpu.memory_space<semaphore_mem>>)
      } else {
      }
      %add3A_214 = arith.constant 1 : i32
      %add3A_215 = arith.addi %add3A_196, %add3A_214 : i32
      %lt3A_216 = arith.constant 125 : i32
      %lt3A_217 = arith.cmpi slt, %add3A_215, %lt3A_216 : i32
      %convert_element_type3A_218 = arith.extui %lt3A_217 : i1 to i32
      %cond3A_219 = arith.constant 0 : i32
      %cond3A_220 = arith.cmpi ne, %convert_element_type3A_218, %cond3A_219 : i32
      scf.if %cond3A_220 {
        %add3A_292 = arith.constant 1 : i32
        %add3A_293 = arith.addi %add3A_196, %add3A_292 : i32
        %add3A_294 = arith.addi %mul3A_4, %add3A_293 : i32
        %dma_wait3A_295 = arith.constant 2 : i32
        %dma_wait3A_296 = arith.constant 2 : i32
        %dma_wait3A_297 = arith.constant 0 : i32
        %dma_wait3A_298 = arith.constant 0 : i32
        %dma_wait3A_299 = tpu.memref_slice %arg11[%dma_wait3A_295, %dma_wait3A_297, %dma_wait3A_298] : memref<4x3x80xi32, #tpu.memory_space<vmem>> -> memref<1x3x80xi32, #tpu.memory_space<vmem>>
        %dma_wait3A_300 = tpu.memref_squeeze %dma_wait3A_299 : memref<1x3x80xi32, #tpu.memory_space<vmem>> -> memref<3x80xi32, #tpu.memory_space<vmem>>
        %dma_wait3A_301 = arith.constant 0 : i32
        %dma_wait3A_302 = arith.constant 0 : i32
        %dma_wait3A_303 = tpu.memref_slice %arg4[%add3A_294, %dma_wait3A_301, %dma_wait3A_302] : memref<4000x3x80xi32, #tpu.memory_space<hbm>> -> memref<1x3x80xi32, #tpu.memory_space<hbm>>
        %dma_wait3A_304 = tpu.memref_squeeze %dma_wait3A_303 : memref<1x3x80xi32, #tpu.memory_space<hbm>> -> memref<3x80xi32, #tpu.memory_space<hbm>>
        %dma_wait3A_305 = tpu.memref_slice %arg17[%dma_wait3A_296] : memref<4x!tpu.dma_semaphore, #tpu.memory_space<semaphore_mem>> -> memref<1x!tpu.dma_semaphore, #tpu.memory_space<semaphore_mem>>
        %dma_wait3A_306 = tpu.memref_squeeze %dma_wait3A_305 : memref<1x!tpu.dma_semaphore, #tpu.memory_space<semaphore_mem>> -> memref<!tpu.dma_semaphore, #tpu.memory_space<semaphore_mem>>
        %dma_wait3A_307 = arith.constant 0 : i32
        %dma_wait3A_308 = arith.constant 0 : i32
        %dma_wait3A_309 = tpu.memref_slice %arg11[%dma_wait3A_295, %dma_wait3A_307, %dma_wait3A_308] : memref<4x3x80xi32, #tpu.memory_space<vmem>> -> memref<1x3x80xi32, #tpu.memory_space<vmem>>
        %dma_wait3A_310 = tpu.memref_squeeze %dma_wait3A_309 : memref<1x3x80xi32, #tpu.memory_space<vmem>> -> memref<3x80xi32, #tpu.memory_space<vmem>>
        %dma_wait3A_311 = arith.constant 0 : i32
        %dma_wait3A_312 = arith.constant 0 : i32
        %dma_wait3A_313 = tpu.memref_slice %arg4[%add3A_294, %dma_wait3A_311, %dma_wait3A_312] : memref<4000x3x80xi32, #tpu.memory_space<hbm>> -> memref<1x3x80xi32, #tpu.memory_space<hbm>>
        %dma_wait3A_314 = tpu.memref_squeeze %dma_wait3A_313 : memref<1x3x80xi32, #tpu.memory_space<hbm>> -> memref<3x80xi32, #tpu.memory_space<hbm>>
        tpu.wait_dma2 semaphore(%dma_wait3A_306 : memref<!tpu.dma_semaphore, #tpu.memory_space<semaphore_mem>>) src(%dma_wait3A_314 : memref<3x80xi32, #tpu.memory_space<hbm>>) dst(%dma_wait3A_310 : memref<3x80xi32, #tpu.memory_space<vmem>>)
        %add3A_315 = arith.constant 1 : i32
        %add3A_316 = arith.addi %add3A_196, %add3A_315 : i32
        %dma_start3A_317 = arith.constant 2 : i32
        %dma_start3A_318 = arith.constant 0 : i32
        %dma_start3A_319 = arith.constant 0 : i32
        %dma_start3A_320 = arith.constant 0 : i32
        %dma_start3A_321 = arith.constant 0 : i32
        %dma_start3A_322 = arith.constant 0 : i32
        %dma_start3A_323 = tpu.memref_slice %arg12[%dma_start3A_319, %dma_start3A_321, %dma_start3A_322] : memref<2x80x128xf32, #tpu.memory_space<vmem>> -> memref<1x80x128xf32, #tpu.memory_space<vmem>>
        %dma_start3A_324 = tpu.memref_squeeze %dma_start3A_323 : memref<1x80x128xf32, #tpu.memory_space<vmem>> -> memref<80x128xf32, #tpu.memory_space<vmem>>
        %dma_start3A_325 = arith.constant 0 : i32
        %dma_start3A_326 = tpu.memref_slice %arg11[%dma_start3A_317, %dma_start3A_318, %dma_start3A_325] : memref<4x3x80xi32, #tpu.memory_space<vmem>> -> memref<1x1x80xi32, #tpu.memory_space<vmem>>
        %dma_start3A_327 = tpu.memref_squeeze %dma_start3A_326 : memref<1x1x80xi32, #tpu.memory_space<vmem>> -> memref<80xi32, #tpu.memory_space<vmem>>
        %dma_start3A_328 = arith.constant 0 : i32
        %dma_start3A_329 = arith.constant 0 : i32
        %dma_start3A_330 = tpu.memref_slice %arg2[%dma_start3A_328, %dma_start3A_329] : memref<10240x128xf32, #tpu.memory_space<hbm>> -> memref<10240x128xf32, #tpu.memory_space<hbm>>
        %dma_start3A_331 = tpu.memref_slice %arg18[%dma_start3A_320] : memref<2x!tpu.dma_semaphore, #tpu.memory_space<semaphore_mem>> -> memref<1x!tpu.dma_semaphore, #tpu.memory_space<semaphore_mem>>
        %dma_start3A_332 = tpu.memref_squeeze %dma_start3A_331 : memref<1x!tpu.dma_semaphore, #tpu.memory_space<semaphore_mem>> -> memref<!tpu.dma_semaphore, #tpu.memory_space<semaphore_mem>>
        tpu.enqueue_indirect_dma source(%dma_start3A_330 : memref<10240x128xf32, #tpu.memory_space<hbm>>) target(%dma_start3A_324 : memref<80x128xf32, #tpu.memory_space<vmem>>) offsets(%dma_start3A_327 : memref<80xi32, #tpu.memory_space<vmem>>) semaphore(%dma_start3A_332 : memref<!tpu.dma_semaphore, #tpu.memory_space<semaphore_mem>>)
        %dma_start3A_333 = arith.constant 2 : i32
        %dma_start3A_334 = arith.constant 1 : i32
        %dma_start3A_335 = arith.constant 0 : i32
        %dma_start3A_336 = arith.constant 0 : i32
        %dma_start3A_337 = arith.constant 0 : i32
        %dma_start3A_338 = arith.constant 0 : i32
        %dma_start3A_339 = tpu.memref_slice %arg13[%dma_start3A_335, %dma_start3A_337, %dma_start3A_338] : memref<2x80x128xf32, #tpu.memory_space<vmem>> -> memref<1x80x128xf32, #tpu.memory_space<vmem>>
        %dma_start3A_340 = tpu.memref_squeeze %dma_start3A_339 : memref<1x80x128xf32, #tpu.memory_space<vmem>> -> memref<80x128xf32, #tpu.memory_space<vmem>>
        %dma_start3A_341 = arith.constant 0 : i32
        %dma_start3A_342 = tpu.memref_slice %arg11[%dma_start3A_333, %dma_start3A_334, %dma_start3A_341] : memref<4x3x80xi32, #tpu.memory_space<vmem>> -> memref<1x1x80xi32, #tpu.memory_space<vmem>>
        %dma_start3A_343 = tpu.memref_squeeze %dma_start3A_342 : memref<1x1x80xi32, #tpu.memory_space<vmem>> -> memref<80xi32, #tpu.memory_space<vmem>>
        %dma_start3A_344 = arith.constant 0 : i32
        %dma_start3A_345 = arith.constant 0 : i32
        %dma_start3A_346 = tpu.memref_slice %arg3[%dma_start3A_344, %dma_start3A_345] : memref<320000x128xf32, #tpu.memory_space<hbm>> -> memref<320000x128xf32, #tpu.memory_space<hbm>>
        %dma_start3A_347 = tpu.memref_slice %arg19[%dma_start3A_336] : memref<2x!tpu.dma_semaphore, #tpu.memory_space<semaphore_mem>> -> memref<1x!tpu.dma_semaphore, #tpu.memory_space<semaphore_mem>>
        %dma_start3A_348 = tpu.memref_squeeze %dma_start3A_347 : memref<1x!tpu.dma_semaphore, #tpu.memory_space<semaphore_mem>> -> memref<!tpu.dma_semaphore, #tpu.memory_space<semaphore_mem>>
        tpu.enqueue_indirect_dma source(%dma_start3A_346 : memref<320000x128xf32, #tpu.memory_space<hbm>>) target(%dma_start3A_340 : memref<80x128xf32, #tpu.memory_space<vmem>>) offsets(%dma_start3A_343 : memref<80xi32, #tpu.memory_space<vmem>>) semaphore(%dma_start3A_348 : memref<!tpu.dma_semaphore, #tpu.memory_space<semaphore_mem>>)
      } else {
      }
      %lt3A_221 = arith.constant 125 : i32
      %lt3A_222 = arith.cmpi slt, %add3A_196, %lt3A_221 : i32
      %convert_element_type3A_223 = arith.extui %lt3A_222 : i1 to i32
      %cond3A_224 = arith.constant 0 : i32
      %cond3A_225 = arith.cmpi ne, %convert_element_type3A_223, %cond3A_224 : i32
      scf.if %cond3A_225 {
        %dma_wait3A_292 = arith.constant 1 : i32
        %dma_wait3A_293 = arith.constant 0 : i32
        %dma_wait3A_294 = arith.constant 1 : i32
        %dma_wait3A_295 = arith.constant 1 : i32
        %dma_wait3A_296 = arith.constant 0 : i32
        %dma_wait3A_297 = arith.constant 0 : i32
        %dma_wait3A_298 = tpu.memref_slice %arg12[%dma_wait3A_294, %dma_wait3A_296, %dma_wait3A_297] : memref<2x80x128xf32, #tpu.memory_space<vmem>> -> memref<1x80x128xf32, #tpu.memory_space<vmem>>
        %dma_wait3A_299 = tpu.memref_squeeze %dma_wait3A_298 : memref<1x80x128xf32, #tpu.memory_space<vmem>> -> memref<80x128xf32, #tpu.memory_space<vmem>>
        %dma_wait3A_300 = arith.constant 0 : i32
        %dma_wait3A_301 = tpu.memref_slice %arg11[%dma_wait3A_292, %dma_wait3A_293, %dma_wait3A_300] : memref<4x3x80xi32, #tpu.memory_space<vmem>> -> memref<1x1x80xi32, #tpu.memory_space<vmem>>
        %dma_wait3A_302 = tpu.memref_squeeze %dma_wait3A_301 : memref<1x1x80xi32, #tpu.memory_space<vmem>> -> memref<80xi32, #tpu.memory_space<vmem>>
        %dma_wait3A_303 = arith.constant 0 : i32
        %dma_wait3A_304 = arith.constant 0 : i32
        %dma_wait3A_305 = tpu.memref_slice %arg2[%dma_wait3A_303, %dma_wait3A_304] : memref<10240x128xf32, #tpu.memory_space<hbm>> -> memref<10240x128xf32, #tpu.memory_space<hbm>>
        %dma_wait3A_306 = tpu.memref_slice %arg18[%dma_wait3A_295] : memref<2x!tpu.dma_semaphore, #tpu.memory_space<semaphore_mem>> -> memref<1x!tpu.dma_semaphore, #tpu.memory_space<semaphore_mem>>
        %dma_wait3A_307 = tpu.memref_squeeze %dma_wait3A_306 : memref<1x!tpu.dma_semaphore, #tpu.memory_space<semaphore_mem>> -> memref<!tpu.dma_semaphore, #tpu.memory_space<semaphore_mem>>
        tpu.wait_indirect_dma semaphore(%dma_wait3A_307 : memref<!tpu.dma_semaphore, #tpu.memory_space<semaphore_mem>>) src(%dma_wait3A_305 : memref<10240x128xf32, #tpu.memory_space<hbm>>) dst(%dma_wait3A_299 : memref<80x128xf32, #tpu.memory_space<vmem>>)
        %dma_wait3A_308 = arith.constant 1 : i32
        %dma_wait3A_309 = arith.constant 1 : i32
        %dma_wait3A_310 = arith.constant 1 : i32
        %dma_wait3A_311 = arith.constant 1 : i32
        %dma_wait3A_312 = arith.constant 0 : i32
        %dma_wait3A_313 = arith.constant 0 : i32
        %dma_wait3A_314 = tpu.memref_slice %arg13[%dma_wait3A_310, %dma_wait3A_312, %dma_wait3A_313] : memref<2x80x128xf32, #tpu.memory_space<vmem>> -> memref<1x80x128xf32, #tpu.memory_space<vmem>>
        %dma_wait3A_315 = tpu.memref_squeeze %dma_wait3A_314 : memref<1x80x128xf32, #tpu.memory_space<vmem>> -> memref<80x128xf32, #tpu.memory_space<vmem>>
        %dma_wait3A_316 = arith.constant 0 : i32
        %dma_wait3A_317 = tpu.memref_slice %arg11[%dma_wait3A_308, %dma_wait3A_309, %dma_wait3A_316] : memref<4x3x80xi32, #tpu.memory_space<vmem>> -> memref<1x1x80xi32, #tpu.memory_space<vmem>>
        %dma_wait3A_318 = tpu.memref_squeeze %dma_wait3A_317 : memref<1x1x80xi32, #tpu.memory_space<vmem>> -> memref<80xi32, #tpu.memory_space<vmem>>
        %dma_wait3A_319 = arith.constant 0 : i32
        %dma_wait3A_320 = arith.constant 0 : i32
        %dma_wait3A_321 = tpu.memref_slice %arg3[%dma_wait3A_319, %dma_wait3A_320] : memref<320000x128xf32, #tpu.memory_space<hbm>> -> memref<320000x128xf32, #tpu.memory_space<hbm>>
        %dma_wait3A_322 = tpu.memref_slice %arg19[%dma_wait3A_311] : memref<2x!tpu.dma_semaphore, #tpu.memory_space<semaphore_mem>> -> memref<1x!tpu.dma_semaphore, #tpu.memory_space<semaphore_mem>>
        %dma_wait3A_323 = tpu.memref_squeeze %dma_wait3A_322 : memref<1x!tpu.dma_semaphore, #tpu.memory_space<semaphore_mem>> -> memref<!tpu.dma_semaphore, #tpu.memory_space<semaphore_mem>>
        tpu.wait_indirect_dma semaphore(%dma_wait3A_323 : memref<!tpu.dma_semaphore, #tpu.memory_space<semaphore_mem>>) src(%dma_wait3A_321 : memref<320000x128xf32, #tpu.memory_space<hbm>>) dst(%dma_wait3A_315 : memref<80x128xf32, #tpu.memory_space<vmem>>)
        %dma_start3A_324 = arith.constant 1 : i32
        %dma_start3A_325 = arith.constant 1 : i32
        %dma_start3A_326 = arith.constant 2 : i32
        %dma_start3A_327 = arith.constant 1 : i32
        %dma_start3A_328 = arith.constant 0 : i32
        %dma_start3A_329 = arith.constant 0 : i32
        %dma_start3A_330 = tpu.memref_slice %arg12[%dma_start3A_324, %dma_start3A_328, %dma_start3A_329] : memref<2x80x128xf32, #tpu.memory_space<vmem>> -> memref<1x80x128xf32, #tpu.memory_space<vmem>>
        %dma_start3A_331 = tpu.memref_squeeze %dma_start3A_330 : memref<1x80x128xf32, #tpu.memory_space<vmem>> -> memref<80x128xf32, #tpu.memory_space<vmem>>
        %dma_start3A_332 = arith.constant 0 : i32
        %dma_start3A_333 = tpu.memref_slice %arg11[%dma_start3A_325, %dma_start3A_326, %dma_start3A_332] : memref<4x3x80xi32, #tpu.memory_space<vmem>> -> memref<1x1x80xi32, #tpu.memory_space<vmem>>
        %dma_start3A_334 = tpu.memref_squeeze %dma_start3A_333 : memref<1x1x80xi32, #tpu.memory_space<vmem>> -> memref<80xi32, #tpu.memory_space<vmem>>
        %dma_start3A_335 = arith.constant 0 : i32
        %dma_start3A_336 = arith.constant 0 : i32
        %dma_start3A_337 = tpu.memref_slice %arg15[%dma_start3A_335, %dma_start3A_336] : memref<10240x128xf32, #tpu.memory_space<vmem_shared>> -> memref<10240x128xf32, #tpu.memory_space<vmem_shared>>
        %dma_start3A_338 = tpu.memref_slice %arg20[%dma_start3A_327] : memref<2x!tpu.dma_semaphore, #tpu.memory_space<semaphore_mem>> -> memref<1x!tpu.dma_semaphore, #tpu.memory_space<semaphore_mem>>
        %dma_start3A_339 = tpu.memref_squeeze %dma_start3A_338 : memref<1x!tpu.dma_semaphore, #tpu.memory_space<semaphore_mem>> -> memref<!tpu.dma_semaphore, #tpu.memory_space<semaphore_mem>>
        tpu.enqueue_indirect_dma source(%dma_start3A_331 : memref<80x128xf32, #tpu.memory_space<vmem>>) target(%dma_start3A_337 : memref<10240x128xf32, #tpu.memory_space<vmem_shared>>) offsets(%dma_start3A_334 : memref<80xi32, #tpu.memory_space<vmem>>) semaphore(%dma_start3A_339 : memref<!tpu.dma_semaphore, #tpu.memory_space<semaphore_mem>>) {add = true}
        %dma_start3A_340 = arith.constant 1 : i32
        %dma_start3A_341 = arith.constant 1 : i32
        %dma_start3A_342 = arith.constant 2 : i32
        %dma_start3A_343 = arith.constant 1 : i32
        %dma_start3A_344 = arith.constant 0 : i32
        %dma_start3A_345 = arith.constant 0 : i32
        %dma_start3A_346 = tpu.memref_slice %arg13[%dma_start3A_340, %dma_start3A_344, %dma_start3A_345] : memref<2x80x128xf32, #tpu.memory_space<vmem>> -> memref<1x80x128xf32, #tpu.memory_space<vmem>>
        %dma_start3A_347 = tpu.memref_squeeze %dma_start3A_346 : memref<1x80x128xf32, #tpu.memory_space<vmem>> -> memref<80x128xf32, #tpu.memory_space<vmem>>
        %dma_start3A_348 = arith.constant 0 : i32
        %dma_start3A_349 = tpu.memref_slice %arg11[%dma_start3A_341, %dma_start3A_342, %dma_start3A_348] : memref<4x3x80xi32, #tpu.memory_space<vmem>> -> memref<1x1x80xi32, #tpu.memory_space<vmem>>
        %dma_start3A_350 = tpu.memref_squeeze %dma_start3A_349 : memref<1x1x80xi32, #tpu.memory_space<vmem>> -> memref<80xi32, #tpu.memory_space<vmem>>
        %dma_start3A_351 = arith.constant 0 : i32
        %dma_start3A_352 = arith.constant 0 : i32
        %dma_start3A_353 = tpu.memref_slice %arg15[%dma_start3A_351, %dma_start3A_352] : memref<10240x128xf32, #tpu.memory_space<vmem_shared>> -> memref<10240x128xf32, #tpu.memory_space<vmem_shared>>
        %dma_start3A_354 = tpu.memref_slice %arg20[%dma_start3A_343] : memref<2x!tpu.dma_semaphore, #tpu.memory_space<semaphore_mem>> -> memref<1x!tpu.dma_semaphore, #tpu.memory_space<semaphore_mem>>
        %dma_start3A_355 = tpu.memref_squeeze %dma_start3A_354 : memref<1x!tpu.dma_semaphore, #tpu.memory_space<semaphore_mem>> -> memref<!tpu.dma_semaphore, #tpu.memory_space<semaphore_mem>>
        tpu.enqueue_indirect_dma source(%dma_start3A_347 : memref<80x128xf32, #tpu.memory_space<vmem>>) target(%dma_start3A_353 : memref<10240x128xf32, #tpu.memory_space<vmem_shared>>) offsets(%dma_start3A_350 : memref<80xi32, #tpu.memory_space<vmem>>) semaphore(%dma_start3A_355 : memref<!tpu.dma_semaphore, #tpu.memory_space<semaphore_mem>>) {add = true}
        %dma_start3A_356 = arith.constant 1 : i32
        %dma_start3A_357 = arith.constant 2 : i32
        %dma_start3A_358 = arith.constant 1 : i32
        %dma_start3A_359 = arith.constant 0 : i32
        %dma_start3A_360 = tpu.memref_slice %arg11[%dma_start3A_356, %dma_start3A_357, %dma_start3A_359] : memref<4x3x80xi32, #tpu.memory_space<vmem>> -> memref<1x1x80xi32, #tpu.memory_space<vmem>>
        %dma_start3A_361 = tpu.memref_squeeze %dma_start3A_360 : memref<1x1x80xi32, #tpu.memory_space<vmem>> -> memref<80xi32, #tpu.memory_space<vmem>>
        %dma_start3A_362 = arith.constant 0 : i32
        %dma_start3A_363 = tpu.memref_slice %arg16[%dma_start3A_362] : memref<10240xf32, #tpu.memory_space<vmem_shared>> -> memref<10240xf32, #tpu.memory_space<vmem_shared>>
        %dma_start3A_364 = tpu.memref_slice %arg20[%dma_start3A_358] : memref<2x!tpu.dma_semaphore, #tpu.memory_space<semaphore_mem>> -> memref<1x!tpu.dma_semaphore, #tpu.memory_space<semaphore_mem>>
        %dma_start3A_365 = tpu.memref_squeeze %dma_start3A_364 : memref<1x!tpu.dma_semaphore, #tpu.memory_space<semaphore_mem>> -> memref<!tpu.dma_semaphore, #tpu.memory_space<semaphore_mem>>
        tpu.enqueue_indirect_dma source(%arg14 : memref<80xf32, #tpu.memory_space<vmem>>) target(%dma_start3A_363 : memref<10240xf32, #tpu.memory_space<vmem_shared>>) offsets(%dma_start3A_361 : memref<80xi32, #tpu.memory_space<vmem>>) semaphore(%dma_start3A_365 : memref<!tpu.dma_semaphore, #tpu.memory_space<semaphore_mem>>) {add = true}
      } else {
      }
      %mul3A_226 = arith.constant 4 : i32
      %mul3A_227 = arith.muli %scan3A_164, %mul3A_226 : i32
      %add3A_228 = arith.constant 2 : i32
      %add3A_229 = arith.addi %mul3A_227, %add3A_228 : i32
      %ge3A_230 = arith.constant 1 : i32
      %ge3A_231 = arith.cmpi sge, %add3A_229, %ge3A_230 : i32
      %le3A_232 = arith.constant 125 : i32
      %le3A_233 = arith.cmpi sle, %add3A_229, %le3A_232 : i32
      %and3A_234 = arith.andi %ge3A_231, %le3A_233 : i1
      %convert_element_type3A_235 = arith.extui %and3A_234 : i1 to i32
      %cond3A_236 = arith.constant 0 : i32
      %cond3A_237 = arith.cmpi ne, %convert_element_type3A_235, %cond3A_236 : i32
      scf.if %cond3A_237 {
        %sub3A_292 = arith.constant 1 : i32
        %sub3A_293 = arith.subi %add3A_229, %sub3A_292 : i32
        %dma_wait3A_294 = arith.constant 1 : i32
        %dma_wait3A_295 = arith.constant 1 : i32
        %dma_wait3A_296 = arith.constant 2 : i32
        %dma_wait3A_297 = arith.constant 1 : i32
        %dma_wait3A_298 = arith.constant 0 : i32
        %dma_wait3A_299 = arith.constant 0 : i32
        %dma_wait3A_300 = tpu.memref_slice %arg12[%dma_wait3A_294, %dma_wait3A_298, %dma_wait3A_299] : memref<2x80x128xf32, #tpu.memory_space<vmem>> -> memref<1x80x128xf32, #tpu.memory_space<vmem>>
        %dma_wait3A_301 = tpu.memref_squeeze %dma_wait3A_300 : memref<1x80x128xf32, #tpu.memory_space<vmem>> -> memref<80x128xf32, #tpu.memory_space<vmem>>
        %dma_wait3A_302 = arith.constant 0 : i32
        %dma_wait3A_303 = tpu.memref_slice %arg11[%dma_wait3A_295, %dma_wait3A_296, %dma_wait3A_302] : memref<4x3x80xi32, #tpu.memory_space<vmem>> -> memref<1x1x80xi32, #tpu.memory_space<vmem>>
        %dma_wait3A_304 = tpu.memref_squeeze %dma_wait3A_303 : memref<1x1x80xi32, #tpu.memory_space<vmem>> -> memref<80xi32, #tpu.memory_space<vmem>>
        %dma_wait3A_305 = arith.constant 0 : i32
        %dma_wait3A_306 = arith.constant 0 : i32
        %dma_wait3A_307 = tpu.memref_slice %arg15[%dma_wait3A_305, %dma_wait3A_306] : memref<10240x128xf32, #tpu.memory_space<vmem_shared>> -> memref<10240x128xf32, #tpu.memory_space<vmem_shared>>
        %dma_wait3A_308 = tpu.memref_slice %arg20[%dma_wait3A_297] : memref<2x!tpu.dma_semaphore, #tpu.memory_space<semaphore_mem>> -> memref<1x!tpu.dma_semaphore, #tpu.memory_space<semaphore_mem>>
        %dma_wait3A_309 = tpu.memref_squeeze %dma_wait3A_308 : memref<1x!tpu.dma_semaphore, #tpu.memory_space<semaphore_mem>> -> memref<!tpu.dma_semaphore, #tpu.memory_space<semaphore_mem>>
        tpu.wait_indirect_dma semaphore(%dma_wait3A_309 : memref<!tpu.dma_semaphore, #tpu.memory_space<semaphore_mem>>) src(%dma_wait3A_301 : memref<80x128xf32, #tpu.memory_space<vmem>>) dst(%dma_wait3A_307 : memref<10240x128xf32, #tpu.memory_space<vmem_shared>>)
        %dma_wait3A_310 = arith.constant 1 : i32
        %dma_wait3A_311 = arith.constant 1 : i32
        %dma_wait3A_312 = arith.constant 2 : i32
        %dma_wait3A_313 = arith.constant 1 : i32
        %dma_wait3A_314 = arith.constant 0 : i32
        %dma_wait3A_315 = arith.constant 0 : i32
        %dma_wait3A_316 = tpu.memref_slice %arg13[%dma_wait3A_310, %dma_wait3A_314, %dma_wait3A_315] : memref<2x80x128xf32, #tpu.memory_space<vmem>> -> memref<1x80x128xf32, #tpu.memory_space<vmem>>
        %dma_wait3A_317 = tpu.memref_squeeze %dma_wait3A_316 : memref<1x80x128xf32, #tpu.memory_space<vmem>> -> memref<80x128xf32, #tpu.memory_space<vmem>>
        %dma_wait3A_318 = arith.constant 0 : i32
        %dma_wait3A_319 = tpu.memref_slice %arg11[%dma_wait3A_311, %dma_wait3A_312, %dma_wait3A_318] : memref<4x3x80xi32, #tpu.memory_space<vmem>> -> memref<1x1x80xi32, #tpu.memory_space<vmem>>
        %dma_wait3A_320 = tpu.memref_squeeze %dma_wait3A_319 : memref<1x1x80xi32, #tpu.memory_space<vmem>> -> memref<80xi32, #tpu.memory_space<vmem>>
        %dma_wait3A_321 = arith.constant 0 : i32
        %dma_wait3A_322 = arith.constant 0 : i32
        %dma_wait3A_323 = tpu.memref_slice %arg15[%dma_wait3A_321, %dma_wait3A_322] : memref<10240x128xf32, #tpu.memory_space<vmem_shared>> -> memref<10240x128xf32, #tpu.memory_space<vmem_shared>>
        %dma_wait3A_324 = tpu.memref_slice %arg20[%dma_wait3A_313] : memref<2x!tpu.dma_semaphore, #tpu.memory_space<semaphore_mem>> -> memref<1x!tpu.dma_semaphore, #tpu.memory_space<semaphore_mem>>
        %dma_wait3A_325 = tpu.memref_squeeze %dma_wait3A_324 : memref<1x!tpu.dma_semaphore, #tpu.memory_space<semaphore_mem>> -> memref<!tpu.dma_semaphore, #tpu.memory_space<semaphore_mem>>
        tpu.wait_indirect_dma semaphore(%dma_wait3A_325 : memref<!tpu.dma_semaphore, #tpu.memory_space<semaphore_mem>>) src(%dma_wait3A_317 : memref<80x128xf32, #tpu.memory_space<vmem>>) dst(%dma_wait3A_323 : memref<10240x128xf32, #tpu.memory_space<vmem_shared>>)
        %dma_wait3A_326 = arith.constant 1 : i32
        %dma_wait3A_327 = arith.constant 2 : i32
        %dma_wait3A_328 = arith.constant 1 : i32
        %dma_wait3A_329 = arith.constant 0 : i32
        %dma_wait3A_330 = tpu.memref_slice %arg11[%dma_wait3A_326, %dma_wait3A_327, %dma_wait3A_329] : memref<4x3x80xi32, #tpu.memory_space<vmem>> -> memref<1x1x80xi32, #tpu.memory_space<vmem>>
        %dma_wait3A_331 = tpu.memref_squeeze %dma_wait3A_330 : memref<1x1x80xi32, #tpu.memory_space<vmem>> -> memref<80xi32, #tpu.memory_space<vmem>>
        %dma_wait3A_332 = arith.constant 0 : i32
        %dma_wait3A_333 = tpu.memref_slice %arg16[%dma_wait3A_332] : memref<10240xf32, #tpu.memory_space<vmem_shared>> -> memref<10240xf32, #tpu.memory_space<vmem_shared>>
        %dma_wait3A_334 = tpu.memref_slice %arg20[%dma_wait3A_328] : memref<2x!tpu.dma_semaphore, #tpu.memory_space<semaphore_mem>> -> memref<1x!tpu.dma_semaphore, #tpu.memory_space<semaphore_mem>>
        %dma_wait3A_335 = tpu.memref_squeeze %dma_wait3A_334 : memref<1x!tpu.dma_semaphore, #tpu.memory_space<semaphore_mem>> -> memref<!tpu.dma_semaphore, #tpu.memory_space<semaphore_mem>>
        tpu.wait_indirect_dma semaphore(%dma_wait3A_335 : memref<!tpu.dma_semaphore, #tpu.memory_space<semaphore_mem>>) src(%arg14 : memref<80xf32, #tpu.memory_space<vmem>>) dst(%dma_wait3A_333 : memref<10240xf32, #tpu.memory_space<vmem_shared>>)
      } else {
      }
      %add3A_238 = arith.constant 4 : i32
      %add3A_239 = arith.addi %add3A_229, %add3A_238 : i32
      %sub3A_240 = arith.constant 1 : i32
      %sub3A_241 = arith.subi %add3A_239, %sub3A_240 : i32
      %lt3A_242 = arith.constant 125 : i32
      %lt3A_243 = arith.cmpi slt, %sub3A_241, %lt3A_242 : i32
      %convert_element_type3A_244 = arith.extui %lt3A_243 : i1 to i32
      %cond3A_245 = arith.constant 0 : i32
      %cond3A_246 = arith.cmpi ne, %convert_element_type3A_244, %cond3A_245 : i32
      scf.if %cond3A_246 {
        %add3A_292 = arith.constant 4 : i32
        %add3A_293 = arith.addi %add3A_229, %add3A_292 : i32
        %sub3A_294 = arith.constant 1 : i32
        %sub3A_295 = arith.subi %add3A_293, %sub3A_294 : i32
        %add3A_296 = arith.addi %mul3A_4, %sub3A_295 : i32
        %dma_start3A_297 = arith.constant 1 : i32
        %dma_start3A_298 = arith.constant 1 : i32
        %dma_start3A_299 = arith.constant 0 : i32
        %dma_start3A_300 = arith.constant 0 : i32
        %dma_start3A_301 = tpu.memref_slice %arg11[%dma_start3A_297, %dma_start3A_299, %dma_start3A_300] : memref<4x3x80xi32, #tpu.memory_space<vmem>> -> memref<1x3x80xi32, #tpu.memory_space<vmem>>
        %dma_start3A_302 = tpu.memref_squeeze %dma_start3A_301 : memref<1x3x80xi32, #tpu.memory_space<vmem>> -> memref<3x80xi32, #tpu.memory_space<vmem>>
        %dma_start3A_303 = arith.constant 0 : i32
        %dma_start3A_304 = arith.constant 0 : i32
        %dma_start3A_305 = tpu.memref_slice %arg4[%add3A_296, %dma_start3A_303, %dma_start3A_304] : memref<4000x3x80xi32, #tpu.memory_space<hbm>> -> memref<1x3x80xi32, #tpu.memory_space<hbm>>
        %dma_start3A_306 = tpu.memref_squeeze %dma_start3A_305 : memref<1x3x80xi32, #tpu.memory_space<hbm>> -> memref<3x80xi32, #tpu.memory_space<hbm>>
        %dma_start3A_307 = tpu.memref_slice %arg17[%dma_start3A_298] : memref<4x!tpu.dma_semaphore, #tpu.memory_space<semaphore_mem>> -> memref<1x!tpu.dma_semaphore, #tpu.memory_space<semaphore_mem>>
        %dma_start3A_308 = tpu.memref_squeeze %dma_start3A_307 : memref<1x!tpu.dma_semaphore, #tpu.memory_space<semaphore_mem>> -> memref<!tpu.dma_semaphore, #tpu.memory_space<semaphore_mem>>
        %dma_start3A_309 = arith.constant 0 : i32
        %dma_start3A_310 = arith.constant 0 : i32
        %dma_start3A_311 = tpu.memref_slice %arg11[%dma_start3A_297, %dma_start3A_309, %dma_start3A_310] : memref<4x3x80xi32, #tpu.memory_space<vmem>> -> memref<1x3x80xi32, #tpu.memory_space<vmem>>
        %dma_start3A_312 = tpu.memref_squeeze %dma_start3A_311 : memref<1x3x80xi32, #tpu.memory_space<vmem>> -> memref<3x80xi32, #tpu.memory_space<vmem>>
        %dma_start3A_313 = arith.constant 0 : i32
        %dma_start3A_314 = arith.constant 0 : i32
        %dma_start3A_315 = tpu.memref_slice %arg4[%add3A_296, %dma_start3A_313, %dma_start3A_314] : memref<4000x3x80xi32, #tpu.memory_space<hbm>> -> memref<1x3x80xi32, #tpu.memory_space<hbm>>
        %dma_start3A_316 = tpu.memref_squeeze %dma_start3A_315 : memref<1x3x80xi32, #tpu.memory_space<hbm>> -> memref<3x80xi32, #tpu.memory_space<hbm>>
        tpu.enqueue_dma source(%dma_start3A_316 : memref<3x80xi32, #tpu.memory_space<hbm>>) target(%dma_start3A_312 : memref<3x80xi32, #tpu.memory_space<vmem>>) target_semaphore(%dma_start3A_308 : memref<!tpu.dma_semaphore, #tpu.memory_space<semaphore_mem>>)
      } else {
      }
      %add3A_247 = arith.constant 1 : i32
      %add3A_248 = arith.addi %add3A_229, %add3A_247 : i32
      %lt3A_249 = arith.constant 125 : i32
      %lt3A_250 = arith.cmpi slt, %add3A_248, %lt3A_249 : i32
      %convert_element_type3A_251 = arith.extui %lt3A_250 : i1 to i32
      %cond3A_252 = arith.constant 0 : i32
      %cond3A_253 = arith.cmpi ne, %convert_element_type3A_251, %cond3A_252 : i32
      scf.if %cond3A_253 {
        %add3A_292 = arith.constant 1 : i32
        %add3A_293 = arith.addi %add3A_229, %add3A_292 : i32
        %add3A_294 = arith.addi %mul3A_4, %add3A_293 : i32
        %dma_wait3A_295 = arith.constant 3 : i32
        %dma_wait3A_296 = arith.constant 3 : i32
        %dma_wait3A_297 = arith.constant 0 : i32
        %dma_wait3A_298 = arith.constant 0 : i32
        %dma_wait3A_299 = tpu.memref_slice %arg11[%dma_wait3A_295, %dma_wait3A_297, %dma_wait3A_298] : memref<4x3x80xi32, #tpu.memory_space<vmem>> -> memref<1x3x80xi32, #tpu.memory_space<vmem>>
        %dma_wait3A_300 = tpu.memref_squeeze %dma_wait3A_299 : memref<1x3x80xi32, #tpu.memory_space<vmem>> -> memref<3x80xi32, #tpu.memory_space<vmem>>
        %dma_wait3A_301 = arith.constant 0 : i32
        %dma_wait3A_302 = arith.constant 0 : i32
        %dma_wait3A_303 = tpu.memref_slice %arg4[%add3A_294, %dma_wait3A_301, %dma_wait3A_302] : memref<4000x3x80xi32, #tpu.memory_space<hbm>> -> memref<1x3x80xi32, #tpu.memory_space<hbm>>
        %dma_wait3A_304 = tpu.memref_squeeze %dma_wait3A_303 : memref<1x3x80xi32, #tpu.memory_space<hbm>> -> memref<3x80xi32, #tpu.memory_space<hbm>>
        %dma_wait3A_305 = tpu.memref_slice %arg17[%dma_wait3A_296] : memref<4x!tpu.dma_semaphore, #tpu.memory_space<semaphore_mem>> -> memref<1x!tpu.dma_semaphore, #tpu.memory_space<semaphore_mem>>
        %dma_wait3A_306 = tpu.memref_squeeze %dma_wait3A_305 : memref<1x!tpu.dma_semaphore, #tpu.memory_space<semaphore_mem>> -> memref<!tpu.dma_semaphore, #tpu.memory_space<semaphore_mem>>
        %dma_wait3A_307 = arith.constant 0 : i32
        %dma_wait3A_308 = arith.constant 0 : i32
        %dma_wait3A_309 = tpu.memref_slice %arg11[%dma_wait3A_295, %dma_wait3A_307, %dma_wait3A_308] : memref<4x3x80xi32, #tpu.memory_space<vmem>> -> memref<1x3x80xi32, #tpu.memory_space<vmem>>
        %dma_wait3A_310 = tpu.memref_squeeze %dma_wait3A_309 : memref<1x3x80xi32, #tpu.memory_space<vmem>> -> memref<3x80xi32, #tpu.memory_space<vmem>>
        %dma_wait3A_311 = arith.constant 0 : i32
        %dma_wait3A_312 = arith.constant 0 : i32
        %dma_wait3A_313 = tpu.memref_slice %arg4[%add3A_294, %dma_wait3A_311, %dma_wait3A_312] : memref<4000x3x80xi32, #tpu.memory_space<hbm>> -> memref<1x3x80xi32, #tpu.memory_space<hbm>>
        %dma_wait3A_314 = tpu.memref_squeeze %dma_wait3A_313 : memref<1x3x80xi32, #tpu.memory_space<hbm>> -> memref<3x80xi32, #tpu.memory_space<hbm>>
        tpu.wait_dma2 semaphore(%dma_wait3A_306 : memref<!tpu.dma_semaphore, #tpu.memory_space<semaphore_mem>>) src(%dma_wait3A_314 : memref<3x80xi32, #tpu.memory_space<hbm>>) dst(%dma_wait3A_310 : memref<3x80xi32, #tpu.memory_space<vmem>>)
        %add3A_315 = arith.constant 1 : i32
        %add3A_316 = arith.addi %add3A_229, %add3A_315 : i32
        %dma_start3A_317 = arith.constant 3 : i32
        %dma_start3A_318 = arith.constant 0 : i32
        %dma_start3A_319 = arith.constant 1 : i32
        %dma_start3A_320 = arith.constant 1 : i32
        %dma_start3A_321 = arith.constant 0 : i32
        %dma_start3A_322 = arith.constant 0 : i32
        %dma_start3A_323 = tpu.memref_slice %arg12[%dma_start3A_319, %dma_start3A_321, %dma_start3A_322] : memref<2x80x128xf32, #tpu.memory_space<vmem>> -> memref<1x80x128xf32, #tpu.memory_space<vmem>>
        %dma_start3A_324 = tpu.memref_squeeze %dma_start3A_323 : memref<1x80x128xf32, #tpu.memory_space<vmem>> -> memref<80x128xf32, #tpu.memory_space<vmem>>
        %dma_start3A_325 = arith.constant 0 : i32
        %dma_start3A_326 = tpu.memref_slice %arg11[%dma_start3A_317, %dma_start3A_318, %dma_start3A_325] : memref<4x3x80xi32, #tpu.memory_space<vmem>> -> memref<1x1x80xi32, #tpu.memory_space<vmem>>
        %dma_start3A_327 = tpu.memref_squeeze %dma_start3A_326 : memref<1x1x80xi32, #tpu.memory_space<vmem>> -> memref<80xi32, #tpu.memory_space<vmem>>
        %dma_start3A_328 = arith.constant 0 : i32
        %dma_start3A_329 = arith.constant 0 : i32
        %dma_start3A_330 = tpu.memref_slice %arg2[%dma_start3A_328, %dma_start3A_329] : memref<10240x128xf32, #tpu.memory_space<hbm>> -> memref<10240x128xf32, #tpu.memory_space<hbm>>
        %dma_start3A_331 = tpu.memref_slice %arg18[%dma_start3A_320] : memref<2x!tpu.dma_semaphore, #tpu.memory_space<semaphore_mem>> -> memref<1x!tpu.dma_semaphore, #tpu.memory_space<semaphore_mem>>
        %dma_start3A_332 = tpu.memref_squeeze %dma_start3A_331 : memref<1x!tpu.dma_semaphore, #tpu.memory_space<semaphore_mem>> -> memref<!tpu.dma_semaphore, #tpu.memory_space<semaphore_mem>>
        tpu.enqueue_indirect_dma source(%dma_start3A_330 : memref<10240x128xf32, #tpu.memory_space<hbm>>) target(%dma_start3A_324 : memref<80x128xf32, #tpu.memory_space<vmem>>) offsets(%dma_start3A_327 : memref<80xi32, #tpu.memory_space<vmem>>) semaphore(%dma_start3A_332 : memref<!tpu.dma_semaphore, #tpu.memory_space<semaphore_mem>>)
        %dma_start3A_333 = arith.constant 3 : i32
        %dma_start3A_334 = arith.constant 1 : i32
        %dma_start3A_335 = arith.constant 1 : i32
        %dma_start3A_336 = arith.constant 1 : i32
        %dma_start3A_337 = arith.constant 0 : i32
        %dma_start3A_338 = arith.constant 0 : i32
        %dma_start3A_339 = tpu.memref_slice %arg13[%dma_start3A_335, %dma_start3A_337, %dma_start3A_338] : memref<2x80x128xf32, #tpu.memory_space<vmem>> -> memref<1x80x128xf32, #tpu.memory_space<vmem>>
        %dma_start3A_340 = tpu.memref_squeeze %dma_start3A_339 : memref<1x80x128xf32, #tpu.memory_space<vmem>> -> memref<80x128xf32, #tpu.memory_space<vmem>>
        %dma_start3A_341 = arith.constant 0 : i32
        %dma_start3A_342 = tpu.memref_slice %arg11[%dma_start3A_333, %dma_start3A_334, %dma_start3A_341] : memref<4x3x80xi32, #tpu.memory_space<vmem>> -> memref<1x1x80xi32, #tpu.memory_space<vmem>>
        %dma_start3A_343 = tpu.memref_squeeze %dma_start3A_342 : memref<1x1x80xi32, #tpu.memory_space<vmem>> -> memref<80xi32, #tpu.memory_space<vmem>>
        %dma_start3A_344 = arith.constant 0 : i32
        %dma_start3A_345 = arith.constant 0 : i32
        %dma_start3A_346 = tpu.memref_slice %arg3[%dma_start3A_344, %dma_start3A_345] : memref<320000x128xf32, #tpu.memory_space<hbm>> -> memref<320000x128xf32, #tpu.memory_space<hbm>>
        %dma_start3A_347 = tpu.memref_slice %arg19[%dma_start3A_336] : memref<2x!tpu.dma_semaphore, #tpu.memory_space<semaphore_mem>> -> memref<1x!tpu.dma_semaphore, #tpu.memory_space<semaphore_mem>>
        %dma_start3A_348 = tpu.memref_squeeze %dma_start3A_347 : memref<1x!tpu.dma_semaphore, #tpu.memory_space<semaphore_mem>> -> memref<!tpu.dma_semaphore, #tpu.memory_space<semaphore_mem>>
        tpu.enqueue_indirect_dma source(%dma_start3A_346 : memref<320000x128xf32, #tpu.memory_space<hbm>>) target(%dma_start3A_340 : memref<80x128xf32, #tpu.memory_space<vmem>>) offsets(%dma_start3A_343 : memref<80xi32, #tpu.memory_space<vmem>>) semaphore(%dma_start3A_348 : memref<!tpu.dma_semaphore, #tpu.memory_space<semaphore_mem>>)
      } else {
      }
      %lt3A_254 = arith.constant 125 : i32
      %lt3A_255 = arith.cmpi slt, %add3A_229, %lt3A_254 : i32
      %convert_element_type3A_256 = arith.extui %lt3A_255 : i1 to i32
      %cond3A_257 = arith.constant 0 : i32
      %cond3A_258 = arith.cmpi ne, %convert_element_type3A_256, %cond3A_257 : i32
      scf.if %cond3A_258 {
        %dma_wait3A_292 = arith.constant 2 : i32
        %dma_wait3A_293 = arith.constant 0 : i32
        %dma_wait3A_294 = arith.constant 0 : i32
        %dma_wait3A_295 = arith.constant 0 : i32
        %dma_wait3A_296 = arith.constant 0 : i32
        %dma_wait3A_297 = arith.constant 0 : i32
        %dma_wait3A_298 = tpu.memref_slice %arg12[%dma_wait3A_294, %dma_wait3A_296, %dma_wait3A_297] : memref<2x80x128xf32, #tpu.memory_space<vmem>> -> memref<1x80x128xf32, #tpu.memory_space<vmem>>
        %dma_wait3A_299 = tpu.memref_squeeze %dma_wait3A_298 : memref<1x80x128xf32, #tpu.memory_space<vmem>> -> memref<80x128xf32, #tpu.memory_space<vmem>>
        %dma_wait3A_300 = arith.constant 0 : i32
        %dma_wait3A_301 = tpu.memref_slice %arg11[%dma_wait3A_292, %dma_wait3A_293, %dma_wait3A_300] : memref<4x3x80xi32, #tpu.memory_space<vmem>> -> memref<1x1x80xi32, #tpu.memory_space<vmem>>
        %dma_wait3A_302 = tpu.memref_squeeze %dma_wait3A_301 : memref<1x1x80xi32, #tpu.memory_space<vmem>> -> memref<80xi32, #tpu.memory_space<vmem>>
        %dma_wait3A_303 = arith.constant 0 : i32
        %dma_wait3A_304 = arith.constant 0 : i32
        %dma_wait3A_305 = tpu.memref_slice %arg2[%dma_wait3A_303, %dma_wait3A_304] : memref<10240x128xf32, #tpu.memory_space<hbm>> -> memref<10240x128xf32, #tpu.memory_space<hbm>>
        %dma_wait3A_306 = tpu.memref_slice %arg18[%dma_wait3A_295] : memref<2x!tpu.dma_semaphore, #tpu.memory_space<semaphore_mem>> -> memref<1x!tpu.dma_semaphore, #tpu.memory_space<semaphore_mem>>
        %dma_wait3A_307 = tpu.memref_squeeze %dma_wait3A_306 : memref<1x!tpu.dma_semaphore, #tpu.memory_space<semaphore_mem>> -> memref<!tpu.dma_semaphore, #tpu.memory_space<semaphore_mem>>
        tpu.wait_indirect_dma semaphore(%dma_wait3A_307 : memref<!tpu.dma_semaphore, #tpu.memory_space<semaphore_mem>>) src(%dma_wait3A_305 : memref<10240x128xf32, #tpu.memory_space<hbm>>) dst(%dma_wait3A_299 : memref<80x128xf32, #tpu.memory_space<vmem>>)
        %dma_wait3A_308 = arith.constant 2 : i32
        %dma_wait3A_309 = arith.constant 1 : i32
        %dma_wait3A_310 = arith.constant 0 : i32
        %dma_wait3A_311 = arith.constant 0 : i32
        %dma_wait3A_312 = arith.constant 0 : i32
        %dma_wait3A_313 = arith.constant 0 : i32
        %dma_wait3A_314 = tpu.memref_slice %arg13[%dma_wait3A_310, %dma_wait3A_312, %dma_wait3A_313] : memref<2x80x128xf32, #tpu.memory_space<vmem>> -> memref<1x80x128xf32, #tpu.memory_space<vmem>>
        %dma_wait3A_315 = tpu.memref_squeeze %dma_wait3A_314 : memref<1x80x128xf32, #tpu.memory_space<vmem>> -> memref<80x128xf32, #tpu.memory_space<vmem>>
        %dma_wait3A_316 = arith.constant 0 : i32
        %dma_wait3A_317 = tpu.memref_slice %arg11[%dma_wait3A_308, %dma_wait3A_309, %dma_wait3A_316] : memref<4x3x80xi32, #tpu.memory_space<vmem>> -> memref<1x1x80xi32, #tpu.memory_space<vmem>>
        %dma_wait3A_318 = tpu.memref_squeeze %dma_wait3A_317 : memref<1x1x80xi32, #tpu.memory_space<vmem>> -> memref<80xi32, #tpu.memory_space<vmem>>
        %dma_wait3A_319 = arith.constant 0 : i32
        %dma_wait3A_320 = arith.constant 0 : i32
        %dma_wait3A_321 = tpu.memref_slice %arg3[%dma_wait3A_319, %dma_wait3A_320] : memref<320000x128xf32, #tpu.memory_space<hbm>> -> memref<320000x128xf32, #tpu.memory_space<hbm>>
        %dma_wait3A_322 = tpu.memref_slice %arg19[%dma_wait3A_311] : memref<2x!tpu.dma_semaphore, #tpu.memory_space<semaphore_mem>> -> memref<1x!tpu.dma_semaphore, #tpu.memory_space<semaphore_mem>>
        %dma_wait3A_323 = tpu.memref_squeeze %dma_wait3A_322 : memref<1x!tpu.dma_semaphore, #tpu.memory_space<semaphore_mem>> -> memref<!tpu.dma_semaphore, #tpu.memory_space<semaphore_mem>>
        tpu.wait_indirect_dma semaphore(%dma_wait3A_323 : memref<!tpu.dma_semaphore, #tpu.memory_space<semaphore_mem>>) src(%dma_wait3A_321 : memref<320000x128xf32, #tpu.memory_space<hbm>>) dst(%dma_wait3A_315 : memref<80x128xf32, #tpu.memory_space<vmem>>)
        %dma_start3A_324 = arith.constant 0 : i32
        %dma_start3A_325 = arith.constant 2 : i32
        %dma_start3A_326 = arith.constant 2 : i32
        %dma_start3A_327 = arith.constant 0 : i32
        %dma_start3A_328 = arith.constant 0 : i32
        %dma_start3A_329 = arith.constant 0 : i32
        %dma_start3A_330 = tpu.memref_slice %arg12[%dma_start3A_324, %dma_start3A_328, %dma_start3A_329] : memref<2x80x128xf32, #tpu.memory_space<vmem>> -> memref<1x80x128xf32, #tpu.memory_space<vmem>>
        %dma_start3A_331 = tpu.memref_squeeze %dma_start3A_330 : memref<1x80x128xf32, #tpu.memory_space<vmem>> -> memref<80x128xf32, #tpu.memory_space<vmem>>
        %dma_start3A_332 = arith.constant 0 : i32
        %dma_start3A_333 = tpu.memref_slice %arg11[%dma_start3A_325, %dma_start3A_326, %dma_start3A_332] : memref<4x3x80xi32, #tpu.memory_space<vmem>> -> memref<1x1x80xi32, #tpu.memory_space<vmem>>
        %dma_start3A_334 = tpu.memref_squeeze %dma_start3A_333 : memref<1x1x80xi32, #tpu.memory_space<vmem>> -> memref<80xi32, #tpu.memory_space<vmem>>
        %dma_start3A_335 = arith.constant 0 : i32
        %dma_start3A_336 = arith.constant 0 : i32
        %dma_start3A_337 = tpu.memref_slice %arg15[%dma_start3A_335, %dma_start3A_336] : memref<10240x128xf32, #tpu.memory_space<vmem_shared>> -> memref<10240x128xf32, #tpu.memory_space<vmem_shared>>
        %dma_start3A_338 = tpu.memref_slice %arg20[%dma_start3A_327] : memref<2x!tpu.dma_semaphore, #tpu.memory_space<semaphore_mem>> -> memref<1x!tpu.dma_semaphore, #tpu.memory_space<semaphore_mem>>
        %dma_start3A_339 = tpu.memref_squeeze %dma_start3A_338 : memref<1x!tpu.dma_semaphore, #tpu.memory_space<semaphore_mem>> -> memref<!tpu.dma_semaphore, #tpu.memory_space<semaphore_mem>>
        tpu.enqueue_indirect_dma source(%dma_start3A_331 : memref<80x128xf32, #tpu.memory_space<vmem>>) target(%dma_start3A_337 : memref<10240x128xf32, #tpu.memory_space<vmem_shared>>) offsets(%dma_start3A_334 : memref<80xi32, #tpu.memory_space<vmem>>) semaphore(%dma_start3A_339 : memref<!tpu.dma_semaphore, #tpu.memory_space<semaphore_mem>>) {add = true}
        %dma_start3A_340 = arith.constant 0 : i32
        %dma_start3A_341 = arith.constant 2 : i32
        %dma_start3A_342 = arith.constant 2 : i32
        %dma_start3A_343 = arith.constant 0 : i32
        %dma_start3A_344 = arith.constant 0 : i32
        %dma_start3A_345 = arith.constant 0 : i32
        %dma_start3A_346 = tpu.memref_slice %arg13[%dma_start3A_340, %dma_start3A_344, %dma_start3A_345] : memref<2x80x128xf32, #tpu.memory_space<vmem>> -> memref<1x80x128xf32, #tpu.memory_space<vmem>>
        %dma_start3A_347 = tpu.memref_squeeze %dma_start3A_346 : memref<1x80x128xf32, #tpu.memory_space<vmem>> -> memref<80x128xf32, #tpu.memory_space<vmem>>
        %dma_start3A_348 = arith.constant 0 : i32
        %dma_start3A_349 = tpu.memref_slice %arg11[%dma_start3A_341, %dma_start3A_342, %dma_start3A_348] : memref<4x3x80xi32, #tpu.memory_space<vmem>> -> memref<1x1x80xi32, #tpu.memory_space<vmem>>
        %dma_start3A_350 = tpu.memref_squeeze %dma_start3A_349 : memref<1x1x80xi32, #tpu.memory_space<vmem>> -> memref<80xi32, #tpu.memory_space<vmem>>
        %dma_start3A_351 = arith.constant 0 : i32
        %dma_start3A_352 = arith.constant 0 : i32
        %dma_start3A_353 = tpu.memref_slice %arg15[%dma_start3A_351, %dma_start3A_352] : memref<10240x128xf32, #tpu.memory_space<vmem_shared>> -> memref<10240x128xf32, #tpu.memory_space<vmem_shared>>
        %dma_start3A_354 = tpu.memref_slice %arg20[%dma_start3A_343] : memref<2x!tpu.dma_semaphore, #tpu.memory_space<semaphore_mem>> -> memref<1x!tpu.dma_semaphore, #tpu.memory_space<semaphore_mem>>
        %dma_start3A_355 = tpu.memref_squeeze %dma_start3A_354 : memref<1x!tpu.dma_semaphore, #tpu.memory_space<semaphore_mem>> -> memref<!tpu.dma_semaphore, #tpu.memory_space<semaphore_mem>>
        tpu.enqueue_indirect_dma source(%dma_start3A_347 : memref<80x128xf32, #tpu.memory_space<vmem>>) target(%dma_start3A_353 : memref<10240x128xf32, #tpu.memory_space<vmem_shared>>) offsets(%dma_start3A_350 : memref<80xi32, #tpu.memory_space<vmem>>) semaphore(%dma_start3A_355 : memref<!tpu.dma_semaphore, #tpu.memory_space<semaphore_mem>>) {add = true}
        %dma_start3A_356 = arith.constant 2 : i32
        %dma_start3A_357 = arith.constant 2 : i32
        %dma_start3A_358 = arith.constant 0 : i32
        %dma_start3A_359 = arith.constant 0 : i32
        %dma_start3A_360 = tpu.memref_slice %arg11[%dma_start3A_356, %dma_start3A_357, %dma_start3A_359] : memref<4x3x80xi32, #tpu.memory_space<vmem>> -> memref<1x1x80xi32, #tpu.memory_space<vmem>>
        %dma_start3A_361 = tpu.memref_squeeze %dma_start3A_360 : memref<1x1x80xi32, #tpu.memory_space<vmem>> -> memref<80xi32, #tpu.memory_space<vmem>>
        %dma_start3A_362 = arith.constant 0 : i32
        %dma_start3A_363 = tpu.memref_slice %arg16[%dma_start3A_362] : memref<10240xf32, #tpu.memory_space<vmem_shared>> -> memref<10240xf32, #tpu.memory_space<vmem_shared>>
        %dma_start3A_364 = tpu.memref_slice %arg20[%dma_start3A_358] : memref<2x!tpu.dma_semaphore, #tpu.memory_space<semaphore_mem>> -> memref<1x!tpu.dma_semaphore, #tpu.memory_space<semaphore_mem>>
        %dma_start3A_365 = tpu.memref_squeeze %dma_start3A_364 : memref<1x!tpu.dma_semaphore, #tpu.memory_space<semaphore_mem>> -> memref<!tpu.dma_semaphore, #tpu.memory_space<semaphore_mem>>
        tpu.enqueue_indirect_dma source(%arg14 : memref<80xf32, #tpu.memory_space<vmem>>) target(%dma_start3A_363 : memref<10240xf32, #tpu.memory_space<vmem_shared>>) offsets(%dma_start3A_361 : memref<80xi32, #tpu.memory_space<vmem>>) semaphore(%dma_start3A_365 : memref<!tpu.dma_semaphore, #tpu.memory_space<semaphore_mem>>) {add = true}
      } else {
      }
      %mul3A_259 = arith.constant 4 : i32
      %mul3A_260 = arith.muli %scan3A_164, %mul3A_259 : i32
      %add3A_261 = arith.constant 3 : i32
      %add3A_262 = arith.addi %mul3A_260, %add3A_261 : i32
      %ge3A_263 = arith.constant 1 : i32
      %ge3A_264 = arith.cmpi sge, %add3A_262, %ge3A_263 : i32
      %le3A_265 = arith.constant 125 : i32
      %le3A_266 = arith.cmpi sle, %add3A_262, %le3A_265 : i32
      %and3A_267 = arith.andi %ge3A_264, %le3A_266 : i1
      %convert_element_type3A_268 = arith.extui %and3A_267 : i1 to i32
      %cond3A_269 = arith.constant 0 : i32
      %cond3A_270 = arith.cmpi ne, %convert_element_type3A_268, %cond3A_269 : i32
      scf.if %cond3A_270 {
        %sub3A_292 = arith.constant 1 : i32
        %sub3A_293 = arith.subi %add3A_262, %sub3A_292 : i32
        %dma_wait3A_294 = arith.constant 0 : i32
        %dma_wait3A_295 = arith.constant 2 : i32
        %dma_wait3A_296 = arith.constant 2 : i32
        %dma_wait3A_297 = arith.constant 0 : i32
        %dma_wait3A_298 = arith.constant 0 : i32
        %dma_wait3A_299 = arith.constant 0 : i32
        %dma_wait3A_300 = tpu.memref_slice %arg12[%dma_wait3A_294, %dma_wait3A_298, %dma_wait3A_299] : memref<2x80x128xf32, #tpu.memory_space<vmem>> -> memref<1x80x128xf32, #tpu.memory_space<vmem>>
        %dma_wait3A_301 = tpu.memref_squeeze %dma_wait3A_300 : memref<1x80x128xf32, #tpu.memory_space<vmem>> -> memref<80x128xf32, #tpu.memory_space<vmem>>
        %dma_wait3A_302 = arith.constant 0 : i32
        %dma_wait3A_303 = tpu.memref_slice %arg11[%dma_wait3A_295, %dma_wait3A_296, %dma_wait3A_302] : memref<4x3x80xi32, #tpu.memory_space<vmem>> -> memref<1x1x80xi32, #tpu.memory_space<vmem>>
        %dma_wait3A_304 = tpu.memref_squeeze %dma_wait3A_303 : memref<1x1x80xi32, #tpu.memory_space<vmem>> -> memref<80xi32, #tpu.memory_space<vmem>>
        %dma_wait3A_305 = arith.constant 0 : i32
        %dma_wait3A_306 = arith.constant 0 : i32
        %dma_wait3A_307 = tpu.memref_slice %arg15[%dma_wait3A_305, %dma_wait3A_306] : memref<10240x128xf32, #tpu.memory_space<vmem_shared>> -> memref<10240x128xf32, #tpu.memory_space<vmem_shared>>
        %dma_wait3A_308 = tpu.memref_slice %arg20[%dma_wait3A_297] : memref<2x!tpu.dma_semaphore, #tpu.memory_space<semaphore_mem>> -> memref<1x!tpu.dma_semaphore, #tpu.memory_space<semaphore_mem>>
        %dma_wait3A_309 = tpu.memref_squeeze %dma_wait3A_308 : memref<1x!tpu.dma_semaphore, #tpu.memory_space<semaphore_mem>> -> memref<!tpu.dma_semaphore, #tpu.memory_space<semaphore_mem>>
        tpu.wait_indirect_dma semaphore(%dma_wait3A_309 : memref<!tpu.dma_semaphore, #tpu.memory_space<semaphore_mem>>) src(%dma_wait3A_301 : memref<80x128xf32, #tpu.memory_space<vmem>>) dst(%dma_wait3A_307 : memref<10240x128xf32, #tpu.memory_space<vmem_shared>>)
        %dma_wait3A_310 = arith.constant 0 : i32
        %dma_wait3A_311 = arith.constant 2 : i32
        %dma_wait3A_312 = arith.constant 2 : i32
        %dma_wait3A_313 = arith.constant 0 : i32
        %dma_wait3A_314 = arith.constant 0 : i32
        %dma_wait3A_315 = arith.constant 0 : i32
        %dma_wait3A_316 = tpu.memref_slice %arg13[%dma_wait3A_310, %dma_wait3A_314, %dma_wait3A_315] : memref<2x80x128xf32, #tpu.memory_space<vmem>> -> memref<1x80x128xf32, #tpu.memory_space<vmem>>
        %dma_wait3A_317 = tpu.memref_squeeze %dma_wait3A_316 : memref<1x80x128xf32, #tpu.memory_space<vmem>> -> memref<80x128xf32, #tpu.memory_space<vmem>>
        %dma_wait3A_318 = arith.constant 0 : i32
        %dma_wait3A_319 = tpu.memref_slice %arg11[%dma_wait3A_311, %dma_wait3A_312, %dma_wait3A_318] : memref<4x3x80xi32, #tpu.memory_space<vmem>> -> memref<1x1x80xi32, #tpu.memory_space<vmem>>
        %dma_wait3A_320 = tpu.memref_squeeze %dma_wait3A_319 : memref<1x1x80xi32, #tpu.memory_space<vmem>> -> memref<80xi32, #tpu.memory_space<vmem>>
        %dma_wait3A_321 = arith.constant 0 : i32
        %dma_wait3A_322 = arith.constant 0 : i32
        %dma_wait3A_323 = tpu.memref_slice %arg15[%dma_wait3A_321, %dma_wait3A_322] : memref<10240x128xf32, #tpu.memory_space<vmem_shared>> -> memref<10240x128xf32, #tpu.memory_space<vmem_shared>>
        %dma_wait3A_324 = tpu.memref_slice %arg20[%dma_wait3A_313] : memref<2x!tpu.dma_semaphore, #tpu.memory_space<semaphore_mem>> -> memref<1x!tpu.dma_semaphore, #tpu.memory_space<semaphore_mem>>
        %dma_wait3A_325 = tpu.memref_squeeze %dma_wait3A_324 : memref<1x!tpu.dma_semaphore, #tpu.memory_space<semaphore_mem>> -> memref<!tpu.dma_semaphore, #tpu.memory_space<semaphore_mem>>
        tpu.wait_indirect_dma semaphore(%dma_wait3A_325 : memref<!tpu.dma_semaphore, #tpu.memory_space<semaphore_mem>>) src(%dma_wait3A_317 : memref<80x128xf32, #tpu.memory_space<vmem>>) dst(%dma_wait3A_323 : memref<10240x128xf32, #tpu.memory_space<vmem_shared>>)
        %dma_wait3A_326 = arith.constant 2 : i32
        %dma_wait3A_327 = arith.constant 2 : i32
        %dma_wait3A_328 = arith.constant 0 : i32
        %dma_wait3A_329 = arith.constant 0 : i32
        %dma_wait3A_330 = tpu.memref_slice %arg11[%dma_wait3A_326, %dma_wait3A_327, %dma_wait3A_329] : memref<4x3x80xi32, #tpu.memory_space<vmem>> -> memref<1x1x80xi32, #tpu.memory_space<vmem>>
        %dma_wait3A_331 = tpu.memref_squeeze %dma_wait3A_330 : memref<1x1x80xi32, #tpu.memory_space<vmem>> -> memref<80xi32, #tpu.memory_space<vmem>>
        %dma_wait3A_332 = arith.constant 0 : i32
        %dma_wait3A_333 = tpu.memref_slice %arg16[%dma_wait3A_332] : memref<10240xf32, #tpu.memory_space<vmem_shared>> -> memref<10240xf32, #tpu.memory_space<vmem_shared>>
        %dma_wait3A_334 = tpu.memref_slice %arg20[%dma_wait3A_328] : memref<2x!tpu.dma_semaphore, #tpu.memory_space<semaphore_mem>> -> memref<1x!tpu.dma_semaphore, #tpu.memory_space<semaphore_mem>>
        %dma_wait3A_335 = tpu.memref_squeeze %dma_wait3A_334 : memref<1x!tpu.dma_semaphore, #tpu.memory_space<semaphore_mem>> -> memref<!tpu.dma_semaphore, #tpu.memory_space<semaphore_mem>>
        tpu.wait_indirect_dma semaphore(%dma_wait3A_335 : memref<!tpu.dma_semaphore, #tpu.memory_space<semaphore_mem>>) src(%arg14 : memref<80xf32, #tpu.memory_space<vmem>>) dst(%dma_wait3A_333 : memref<10240xf32, #tpu.memory_space<vmem_shared>>)
      } else {
      }
      %add3A_271 = arith.constant 4 : i32
      %add3A_272 = arith.addi %add3A_262, %add3A_271 : i32
      %sub3A_273 = arith.constant 1 : i32
      %sub3A_274 = arith.subi %add3A_272, %sub3A_273 : i32
      %lt3A_275 = arith.constant 125 : i32
      %lt3A_276 = arith.cmpi slt, %sub3A_274, %lt3A_275 : i32
      %convert_element_type3A_277 = arith.extui %lt3A_276 : i1 to i32
      %cond3A_278 = arith.constant 0 : i32
      %cond3A_279 = arith.cmpi ne, %convert_element_type3A_277, %cond3A_278 : i32
      scf.if %cond3A_279 {
        %add3A_292 = arith.constant 4 : i32
        %add3A_293 = arith.addi %add3A_262, %add3A_292 : i32
        %sub3A_294 = arith.constant 1 : i32
        %sub3A_295 = arith.subi %add3A_293, %sub3A_294 : i32
        %add3A_296 = arith.addi %mul3A_4, %sub3A_295 : i32
        %dma_start3A_297 = arith.constant 2 : i32
        %dma_start3A_298 = arith.constant 2 : i32
        %dma_start3A_299 = arith.constant 0 : i32
        %dma_start3A_300 = arith.constant 0 : i32
        %dma_start3A_301 = tpu.memref_slice %arg11[%dma_start3A_297, %dma_start3A_299, %dma_start3A_300] : memref<4x3x80xi32, #tpu.memory_space<vmem>> -> memref<1x3x80xi32, #tpu.memory_space<vmem>>
        %dma_start3A_302 = tpu.memref_squeeze %dma_start3A_301 : memref<1x3x80xi32, #tpu.memory_space<vmem>> -> memref<3x80xi32, #tpu.memory_space<vmem>>
        %dma_start3A_303 = arith.constant 0 : i32
        %dma_start3A_304 = arith.constant 0 : i32
        %dma_start3A_305 = tpu.memref_slice %arg4[%add3A_296, %dma_start3A_303, %dma_start3A_304] : memref<4000x3x80xi32, #tpu.memory_space<hbm>> -> memref<1x3x80xi32, #tpu.memory_space<hbm>>
        %dma_start3A_306 = tpu.memref_squeeze %dma_start3A_305 : memref<1x3x80xi32, #tpu.memory_space<hbm>> -> memref<3x80xi32, #tpu.memory_space<hbm>>
        %dma_start3A_307 = tpu.memref_slice %arg17[%dma_start3A_298] : memref<4x!tpu.dma_semaphore, #tpu.memory_space<semaphore_mem>> -> memref<1x!tpu.dma_semaphore, #tpu.memory_space<semaphore_mem>>
        %dma_start3A_308 = tpu.memref_squeeze %dma_start3A_307 : memref<1x!tpu.dma_semaphore, #tpu.memory_space<semaphore_mem>> -> memref<!tpu.dma_semaphore, #tpu.memory_space<semaphore_mem>>
        %dma_start3A_309 = arith.constant 0 : i32
        %dma_start3A_310 = arith.constant 0 : i32
        %dma_start3A_311 = tpu.memref_slice %arg11[%dma_start3A_297, %dma_start3A_309, %dma_start3A_310] : memref<4x3x80xi32, #tpu.memory_space<vmem>> -> memref<1x3x80xi32, #tpu.memory_space<vmem>>
        %dma_start3A_312 = tpu.memref_squeeze %dma_start3A_311 : memref<1x3x80xi32, #tpu.memory_space<vmem>> -> memref<3x80xi32, #tpu.memory_space<vmem>>
        %dma_start3A_313 = arith.constant 0 : i32
        %dma_start3A_314 = arith.constant 0 : i32
        %dma_start3A_315 = tpu.memref_slice %arg4[%add3A_296, %dma_start3A_313, %dma_start3A_314] : memref<4000x3x80xi32, #tpu.memory_space<hbm>> -> memref<1x3x80xi32, #tpu.memory_space<hbm>>
        %dma_start3A_316 = tpu.memref_squeeze %dma_start3A_315 : memref<1x3x80xi32, #tpu.memory_space<hbm>> -> memref<3x80xi32, #tpu.memory_space<hbm>>
        tpu.enqueue_dma source(%dma_start3A_316 : memref<3x80xi32, #tpu.memory_space<hbm>>) target(%dma_start3A_312 : memref<3x80xi32, #tpu.memory_space<vmem>>) target_semaphore(%dma_start3A_308 : memref<!tpu.dma_semaphore, #tpu.memory_space<semaphore_mem>>)
      } else {
      }
      %add3A_280 = arith.constant 1 : i32
      %add3A_281 = arith.addi %add3A_262, %add3A_280 : i32
      %lt3A_282 = arith.constant 125 : i32
      %lt3A_283 = arith.cmpi slt, %add3A_281, %lt3A_282 : i32
      %convert_element_type3A_284 = arith.extui %lt3A_283 : i1 to i32
      %cond3A_285 = arith.constant 0 : i32
      %cond3A_286 = arith.cmpi ne, %convert_element_type3A_284, %cond3A_285 : i32
      scf.if %cond3A_286 {
        %add3A_292 = arith.constant 1 : i32
        %add3A_293 = arith.addi %add3A_262, %add3A_292 : i32
        %add3A_294 = arith.addi %mul3A_4, %add3A_293 : i32
        %dma_wait3A_295 = arith.constant 0 : i32
        %dma_wait3A_296 = arith.constant 0 : i32
        %dma_wait3A_297 = arith.constant 0 : i32
        %dma_wait3A_298 = arith.constant 0 : i32
        %dma_wait3A_299 = tpu.memref_slice %arg11[%dma_wait3A_295, %dma_wait3A_297, %dma_wait3A_298] : memref<4x3x80xi32, #tpu.memory_space<vmem>> -> memref<1x3x80xi32, #tpu.memory_space<vmem>>
        %dma_wait3A_300 = tpu.memref_squeeze %dma_wait3A_299 : memref<1x3x80xi32, #tpu.memory_space<vmem>> -> memref<3x80xi32, #tpu.memory_space<vmem>>
        %dma_wait3A_301 = arith.constant 0 : i32
        %dma_wait3A_302 = arith.constant 0 : i32
        %dma_wait3A_303 = tpu.memref_slice %arg4[%add3A_294, %dma_wait3A_301, %dma_wait3A_302] : memref<4000x3x80xi32, #tpu.memory_space<hbm>> -> memref<1x3x80xi32, #tpu.memory_space<hbm>>
        %dma_wait3A_304 = tpu.memref_squeeze %dma_wait3A_303 : memref<1x3x80xi32, #tpu.memory_space<hbm>> -> memref<3x80xi32, #tpu.memory_space<hbm>>
        %dma_wait3A_305 = tpu.memref_slice %arg17[%dma_wait3A_296] : memref<4x!tpu.dma_semaphore, #tpu.memory_space<semaphore_mem>> -> memref<1x!tpu.dma_semaphore, #tpu.memory_space<semaphore_mem>>
        %dma_wait3A_306 = tpu.memref_squeeze %dma_wait3A_305 : memref<1x!tpu.dma_semaphore, #tpu.memory_space<semaphore_mem>> -> memref<!tpu.dma_semaphore, #tpu.memory_space<semaphore_mem>>
        %dma_wait3A_307 = arith.constant 0 : i32
        %dma_wait3A_308 = arith.constant 0 : i32
        %dma_wait3A_309 = tpu.memref_slice %arg11[%dma_wait3A_295, %dma_wait3A_307, %dma_wait3A_308] : memref<4x3x80xi32, #tpu.memory_space<vmem>> -> memref<1x3x80xi32, #tpu.memory_space<vmem>>
        %dma_wait3A_310 = tpu.memref_squeeze %dma_wait3A_309 : memref<1x3x80xi32, #tpu.memory_space<vmem>> -> memref<3x80xi32, #tpu.memory_space<vmem>>
        %dma_wait3A_311 = arith.constant 0 : i32
        %dma_wait3A_312 = arith.constant 0 : i32
        %dma_wait3A_313 = tpu.memref_slice %arg4[%add3A_294, %dma_wait3A_311, %dma_wait3A_312] : memref<4000x3x80xi32, #tpu.memory_space<hbm>> -> memref<1x3x80xi32, #tpu.memory_space<hbm>>
        %dma_wait3A_314 = tpu.memref_squeeze %dma_wait3A_313 : memref<1x3x80xi32, #tpu.memory_space<hbm>> -> memref<3x80xi32, #tpu.memory_space<hbm>>
        tpu.wait_dma2 semaphore(%dma_wait3A_306 : memref<!tpu.dma_semaphore, #tpu.memory_space<semaphore_mem>>) src(%dma_wait3A_314 : memref<3x80xi32, #tpu.memory_space<hbm>>) dst(%dma_wait3A_310 : memref<3x80xi32, #tpu.memory_space<vmem>>)
        %add3A_315 = arith.constant 1 : i32
        %add3A_316 = arith.addi %add3A_262, %add3A_315 : i32
        %dma_start3A_317 = arith.constant 0 : i32
        %dma_start3A_318 = arith.constant 0 : i32
        %dma_start3A_319 = arith.constant 0 : i32
        %dma_start3A_320 = arith.constant 0 : i32
        %dma_start3A_321 = arith.constant 0 : i32
        %dma_start3A_322 = arith.constant 0 : i32
        %dma_start3A_323 = tpu.memref_slice %arg12[%dma_start3A_319, %dma_start3A_321, %dma_start3A_322] : memref<2x80x128xf32, #tpu.memory_space<vmem>> -> memref<1x80x128xf32, #tpu.memory_space<vmem>>
        %dma_start3A_324 = tpu.memref_squeeze %dma_start3A_323 : memref<1x80x128xf32, #tpu.memory_space<vmem>> -> memref<80x128xf32, #tpu.memory_space<vmem>>
        %dma_start3A_325 = arith.constant 0 : i32
        %dma_start3A_326 = tpu.memref_slice %arg11[%dma_start3A_317, %dma_start3A_318, %dma_start3A_325] : memref<4x3x80xi32, #tpu.memory_space<vmem>> -> memref<1x1x80xi32, #tpu.memory_space<vmem>>
        %dma_start3A_327 = tpu.memref_squeeze %dma_start3A_326 : memref<1x1x80xi32, #tpu.memory_space<vmem>> -> memref<80xi32, #tpu.memory_space<vmem>>
        %dma_start3A_328 = arith.constant 0 : i32
        %dma_start3A_329 = arith.constant 0 : i32
        %dma_start3A_330 = tpu.memref_slice %arg2[%dma_start3A_328, %dma_start3A_329] : memref<10240x128xf32, #tpu.memory_space<hbm>> -> memref<10240x128xf32, #tpu.memory_space<hbm>>
        %dma_start3A_331 = tpu.memref_slice %arg18[%dma_start3A_320] : memref<2x!tpu.dma_semaphore, #tpu.memory_space<semaphore_mem>> -> memref<1x!tpu.dma_semaphore, #tpu.memory_space<semaphore_mem>>
        %dma_start3A_332 = tpu.memref_squeeze %dma_start3A_331 : memref<1x!tpu.dma_semaphore, #tpu.memory_space<semaphore_mem>> -> memref<!tpu.dma_semaphore, #tpu.memory_space<semaphore_mem>>
        tpu.enqueue_indirect_dma source(%dma_start3A_330 : memref<10240x128xf32, #tpu.memory_space<hbm>>) target(%dma_start3A_324 : memref<80x128xf32, #tpu.memory_space<vmem>>) offsets(%dma_start3A_327 : memref<80xi32, #tpu.memory_space<vmem>>) semaphore(%dma_start3A_332 : memref<!tpu.dma_semaphore, #tpu.memory_space<semaphore_mem>>)
        %dma_start3A_333 = arith.constant 0 : i32
        %dma_start3A_334 = arith.constant 1 : i32
        %dma_start3A_335 = arith.constant 0 : i32
        %dma_start3A_336 = arith.constant 0 : i32
        %dma_start3A_337 = arith.constant 0 : i32
        %dma_start3A_338 = arith.constant 0 : i32
        %dma_start3A_339 = tpu.memref_slice %arg13[%dma_start3A_335, %dma_start3A_337, %dma_start3A_338] : memref<2x80x128xf32, #tpu.memory_space<vmem>> -> memref<1x80x128xf32, #tpu.memory_space<vmem>>
        %dma_start3A_340 = tpu.memref_squeeze %dma_start3A_339 : memref<1x80x128xf32, #tpu.memory_space<vmem>> -> memref<80x128xf32, #tpu.memory_space<vmem>>
        %dma_start3A_341 = arith.constant 0 : i32
        %dma_start3A_342 = tpu.memref_slice %arg11[%dma_start3A_333, %dma_start3A_334, %dma_start3A_341] : memref<4x3x80xi32, #tpu.memory_space<vmem>> -> memref<1x1x80xi32, #tpu.memory_space<vmem>>
        %dma_start3A_343 = tpu.memref_squeeze %dma_start3A_342 : memref<1x1x80xi32, #tpu.memory_space<vmem>> -> memref<80xi32, #tpu.memory_space<vmem>>
        %dma_start3A_344 = arith.constant 0 : i32
        %dma_start3A_345 = arith.constant 0 : i32
        %dma_start3A_346 = tpu.memref_slice %arg3[%dma_start3A_344, %dma_start3A_345] : memref<320000x128xf32, #tpu.memory_space<hbm>> -> memref<320000x128xf32, #tpu.memory_space<hbm>>
        %dma_start3A_347 = tpu.memref_slice %arg19[%dma_start3A_336] : memref<2x!tpu.dma_semaphore, #tpu.memory_space<semaphore_mem>> -> memref<1x!tpu.dma_semaphore, #tpu.memory_space<semaphore_mem>>
        %dma_start3A_348 = tpu.memref_squeeze %dma_start3A_347 : memref<1x!tpu.dma_semaphore, #tpu.memory_space<semaphore_mem>> -> memref<!tpu.dma_semaphore, #tpu.memory_space<semaphore_mem>>
        tpu.enqueue_indirect_dma source(%dma_start3A_346 : memref<320000x128xf32, #tpu.memory_space<hbm>>) target(%dma_start3A_340 : memref<80x128xf32, #tpu.memory_space<vmem>>) offsets(%dma_start3A_343 : memref<80xi32, #tpu.memory_space<vmem>>) semaphore(%dma_start3A_348 : memref<!tpu.dma_semaphore, #tpu.memory_space<semaphore_mem>>)
      } else {
      }
      %lt3A_287 = arith.constant 125 : i32
      %lt3A_288 = arith.cmpi slt, %add3A_262, %lt3A_287 : i32
      %convert_element_type3A_289 = arith.extui %lt3A_288 : i1 to i32
      %cond3A_290 = arith.constant 0 : i32
      %cond3A_291 = arith.cmpi ne, %convert_element_type3A_289, %cond3A_290 : i32
      scf.if %cond3A_291 {
        %dma_wait3A_292 = arith.constant 3 : i32
        %dma_wait3A_293 = arith.constant 0 : i32
        %dma_wait3A_294 = arith.constant 1 : i32
        %dma_wait3A_295 = arith.constant 1 : i32
        %dma_wait3A_296 = arith.constant 0 : i32
        %dma_wait3A_297 = arith.constant 0 : i32
        %dma_wait3A_298 = tpu.memref_slice %arg12[%dma_wait3A_294, %dma_wait3A_296, %dma_wait3A_297] : memref<2x80x128xf32, #tpu.memory_space<vmem>> -> memref<1x80x128xf32, #tpu.memory_space<vmem>>
        %dma_wait3A_299 = tpu.memref_squeeze %dma_wait3A_298 : memref<1x80x128xf32, #tpu.memory_space<vmem>> -> memref<80x128xf32, #tpu.memory_space<vmem>>
        %dma_wait3A_300 = arith.constant 0 : i32
        %dma_wait3A_301 = tpu.memref_slice %arg11[%dma_wait3A_292, %dma_wait3A_293, %dma_wait3A_300] : memref<4x3x80xi32, #tpu.memory_space<vmem>> -> memref<1x1x80xi32, #tpu.memory_space<vmem>>
        %dma_wait3A_302 = tpu.memref_squeeze %dma_wait3A_301 : memref<1x1x80xi32, #tpu.memory_space<vmem>> -> memref<80xi32, #tpu.memory_space<vmem>>
        %dma_wait3A_303 = arith.constant 0 : i32
        %dma_wait3A_304 = arith.constant 0 : i32
        %dma_wait3A_305 = tpu.memref_slice %arg2[%dma_wait3A_303, %dma_wait3A_304] : memref<10240x128xf32, #tpu.memory_space<hbm>> -> memref<10240x128xf32, #tpu.memory_space<hbm>>
        %dma_wait3A_306 = tpu.memref_slice %arg18[%dma_wait3A_295] : memref<2x!tpu.dma_semaphore, #tpu.memory_space<semaphore_mem>> -> memref<1x!tpu.dma_semaphore, #tpu.memory_space<semaphore_mem>>
        %dma_wait3A_307 = tpu.memref_squeeze %dma_wait3A_306 : memref<1x!tpu.dma_semaphore, #tpu.memory_space<semaphore_mem>> -> memref<!tpu.dma_semaphore, #tpu.memory_space<semaphore_mem>>
        tpu.wait_indirect_dma semaphore(%dma_wait3A_307 : memref<!tpu.dma_semaphore, #tpu.memory_space<semaphore_mem>>) src(%dma_wait3A_305 : memref<10240x128xf32, #tpu.memory_space<hbm>>) dst(%dma_wait3A_299 : memref<80x128xf32, #tpu.memory_space<vmem>>)
        %dma_wait3A_308 = arith.constant 3 : i32
        %dma_wait3A_309 = arith.constant 1 : i32
        %dma_wait3A_310 = arith.constant 1 : i32
        %dma_wait3A_311 = arith.constant 1 : i32
        %dma_wait3A_312 = arith.constant 0 : i32
        %dma_wait3A_313 = arith.constant 0 : i32
        %dma_wait3A_314 = tpu.memref_slice %arg13[%dma_wait3A_310, %dma_wait3A_312, %dma_wait3A_313] : memref<2x80x128xf32, #tpu.memory_space<vmem>> -> memref<1x80x128xf32, #tpu.memory_space<vmem>>
        %dma_wait3A_315 = tpu.memref_squeeze %dma_wait3A_314 : memref<1x80x128xf32, #tpu.memory_space<vmem>> -> memref<80x128xf32, #tpu.memory_space<vmem>>
        %dma_wait3A_316 = arith.constant 0 : i32
        %dma_wait3A_317 = tpu.memref_slice %arg11[%dma_wait3A_308, %dma_wait3A_309, %dma_wait3A_316] : memref<4x3x80xi32, #tpu.memory_space<vmem>> -> memref<1x1x80xi32, #tpu.memory_space<vmem>>
        %dma_wait3A_318 = tpu.memref_squeeze %dma_wait3A_317 : memref<1x1x80xi32, #tpu.memory_space<vmem>> -> memref<80xi32, #tpu.memory_space<vmem>>
        %dma_wait3A_319 = arith.constant 0 : i32
        %dma_wait3A_320 = arith.constant 0 : i32
        %dma_wait3A_321 = tpu.memref_slice %arg3[%dma_wait3A_319, %dma_wait3A_320] : memref<320000x128xf32, #tpu.memory_space<hbm>> -> memref<320000x128xf32, #tpu.memory_space<hbm>>
        %dma_wait3A_322 = tpu.memref_slice %arg19[%dma_wait3A_311] : memref<2x!tpu.dma_semaphore, #tpu.memory_space<semaphore_mem>> -> memref<1x!tpu.dma_semaphore, #tpu.memory_space<semaphore_mem>>
        %dma_wait3A_323 = tpu.memref_squeeze %dma_wait3A_322 : memref<1x!tpu.dma_semaphore, #tpu.memory_space<semaphore_mem>> -> memref<!tpu.dma_semaphore, #tpu.memory_space<semaphore_mem>>
        tpu.wait_indirect_dma semaphore(%dma_wait3A_323 : memref<!tpu.dma_semaphore, #tpu.memory_space<semaphore_mem>>) src(%dma_wait3A_321 : memref<320000x128xf32, #tpu.memory_space<hbm>>) dst(%dma_wait3A_315 : memref<80x128xf32, #tpu.memory_space<vmem>>)
        %dma_start3A_324 = arith.constant 1 : i32
        %dma_start3A_325 = arith.constant 3 : i32
        %dma_start3A_326 = arith.constant 2 : i32
        %dma_start3A_327 = arith.constant 1 : i32
        %dma_start3A_328 = arith.constant 0 : i32
        %dma_start3A_329 = arith.constant 0 : i32
        %dma_start3A_330 = tpu.memref_slice %arg12[%dma_start3A_324, %dma_start3A_328, %dma_start3A_329] : memref<2x80x128xf32, #tpu.memory_space<vmem>> -> memref<1x80x128xf32, #tpu.memory_space<vmem>>
        %dma_start3A_331 = tpu.memref_squeeze %dma_start3A_330 : memref<1x80x128xf32, #tpu.memory_space<vmem>> -> memref<80x128xf32, #tpu.memory_space<vmem>>
        %dma_start3A_332 = arith.constant 0 : i32
        %dma_start3A_333 = tpu.memref_slice %arg11[%dma_start3A_325, %dma_start3A_326, %dma_start3A_332] : memref<4x3x80xi32, #tpu.memory_space<vmem>> -> memref<1x1x80xi32, #tpu.memory_space<vmem>>
        %dma_start3A_334 = tpu.memref_squeeze %dma_start3A_333 : memref<1x1x80xi32, #tpu.memory_space<vmem>> -> memref<80xi32, #tpu.memory_space<vmem>>
        %dma_start3A_335 = arith.constant 0 : i32
        %dma_start3A_336 = arith.constant 0 : i32
        %dma_start3A_337 = tpu.memref_slice %arg15[%dma_start3A_335, %dma_start3A_336] : memref<10240x128xf32, #tpu.memory_space<vmem_shared>> -> memref<10240x128xf32, #tpu.memory_space<vmem_shared>>
        %dma_start3A_338 = tpu.memref_slice %arg20[%dma_start3A_327] : memref<2x!tpu.dma_semaphore, #tpu.memory_space<semaphore_mem>> -> memref<1x!tpu.dma_semaphore, #tpu.memory_space<semaphore_mem>>
        %dma_start3A_339 = tpu.memref_squeeze %dma_start3A_338 : memref<1x!tpu.dma_semaphore, #tpu.memory_space<semaphore_mem>> -> memref<!tpu.dma_semaphore, #tpu.memory_space<semaphore_mem>>
        tpu.enqueue_indirect_dma source(%dma_start3A_331 : memref<80x128xf32, #tpu.memory_space<vmem>>) target(%dma_start3A_337 : memref<10240x128xf32, #tpu.memory_space<vmem_shared>>) offsets(%dma_start3A_334 : memref<80xi32, #tpu.memory_space<vmem>>) semaphore(%dma_start3A_339 : memref<!tpu.dma_semaphore, #tpu.memory_space<semaphore_mem>>) {add = true}
        %dma_start3A_340 = arith.constant 1 : i32
        %dma_start3A_341 = arith.constant 3 : i32
        %dma_start3A_342 = arith.constant 2 : i32
        %dma_start3A_343 = arith.constant 1 : i32
        %dma_start3A_344 = arith.constant 0 : i32
        %dma_start3A_345 = arith.constant 0 : i32
        %dma_start3A_346 = tpu.memref_slice %arg13[%dma_start3A_340, %dma_start3A_344, %dma_start3A_345] : memref<2x80x128xf32, #tpu.memory_space<vmem>> -> memref<1x80x128xf32, #tpu.memory_space<vmem>>
        %dma_start3A_347 = tpu.memref_squeeze %dma_start3A_346 : memref<1x80x128xf32, #tpu.memory_space<vmem>> -> memref<80x128xf32, #tpu.memory_space<vmem>>
        %dma_start3A_348 = arith.constant 0 : i32
        %dma_start3A_349 = tpu.memref_slice %arg11[%dma_start3A_341, %dma_start3A_342, %dma_start3A_348] : memref<4x3x80xi32, #tpu.memory_space<vmem>> -> memref<1x1x80xi32, #tpu.memory_space<vmem>>
        %dma_start3A_350 = tpu.memref_squeeze %dma_start3A_349 : memref<1x1x80xi32, #tpu.memory_space<vmem>> -> memref<80xi32, #tpu.memory_space<vmem>>
        %dma_start3A_351 = arith.constant 0 : i32
        %dma_start3A_352 = arith.constant 0 : i32
        %dma_start3A_353 = tpu.memref_slice %arg15[%dma_start3A_351, %dma_start3A_352] : memref<10240x128xf32, #tpu.memory_space<vmem_shared>> -> memref<10240x128xf32, #tpu.memory_space<vmem_shared>>
        %dma_start3A_354 = tpu.memref_slice %arg20[%dma_start3A_343] : memref<2x!tpu.dma_semaphore, #tpu.memory_space<semaphore_mem>> -> memref<1x!tpu.dma_semaphore, #tpu.memory_space<semaphore_mem>>
        %dma_start3A_355 = tpu.memref_squeeze %dma_start3A_354 : memref<1x!tpu.dma_semaphore, #tpu.memory_space<semaphore_mem>> -> memref<!tpu.dma_semaphore, #tpu.memory_space<semaphore_mem>>
        tpu.enqueue_indirect_dma source(%dma_start3A_347 : memref<80x128xf32, #tpu.memory_space<vmem>>) target(%dma_start3A_353 : memref<10240x128xf32, #tpu.memory_space<vmem_shared>>) offsets(%dma_start3A_350 : memref<80xi32, #tpu.memory_space<vmem>>) semaphore(%dma_start3A_355 : memref<!tpu.dma_semaphore, #tpu.memory_space<semaphore_mem>>) {add = true}
        %dma_start3A_356 = arith.constant 3 : i32
        %dma_start3A_357 = arith.constant 2 : i32
        %dma_start3A_358 = arith.constant 1 : i32
        %dma_start3A_359 = arith.constant 0 : i32
        %dma_start3A_360 = tpu.memref_slice %arg11[%dma_start3A_356, %dma_start3A_357, %dma_start3A_359] : memref<4x3x80xi32, #tpu.memory_space<vmem>> -> memref<1x1x80xi32, #tpu.memory_space<vmem>>
        %dma_start3A_361 = tpu.memref_squeeze %dma_start3A_360 : memref<1x1x80xi32, #tpu.memory_space<vmem>> -> memref<80xi32, #tpu.memory_space<vmem>>
        %dma_start3A_362 = arith.constant 0 : i32
        %dma_start3A_363 = tpu.memref_slice %arg16[%dma_start3A_362] : memref<10240xf32, #tpu.memory_space<vmem_shared>> -> memref<10240xf32, #tpu.memory_space<vmem_shared>>
        %dma_start3A_364 = tpu.memref_slice %arg20[%dma_start3A_358] : memref<2x!tpu.dma_semaphore, #tpu.memory_space<semaphore_mem>> -> memref<1x!tpu.dma_semaphore, #tpu.memory_space<semaphore_mem>>
        %dma_start3A_365 = tpu.memref_squeeze %dma_start3A_364 : memref<1x!tpu.dma_semaphore, #tpu.memory_space<semaphore_mem>> -> memref<!tpu.dma_semaphore, #tpu.memory_space<semaphore_mem>>
        tpu.enqueue_indirect_dma source(%arg14 : memref<80xf32, #tpu.memory_space<vmem>>) target(%dma_start3A_363 : memref<10240xf32, #tpu.memory_space<vmem_shared>>) offsets(%dma_start3A_361 : memref<80xi32, #tpu.memory_space<vmem>>) semaphore(%dma_start3A_365 : memref<!tpu.dma_semaphore, #tpu.memory_space<semaphore_mem>>) {add = true}
      } else {
      }
    }
    %scan3A_155 = arith.constant 32 : i32
    %barrier3A_156 = arith.constant 0 : index
    tpu.barrier barrier_id(%barrier3A_156)
    %eq3A = arith.constant 0 : i32
    %eq3A_157 = arith.cmpi eq, %arg0, %eq3A : i32
    %convert_element_type3A = arith.extui %eq3A_157 : i1 to i32
    %cond3A = arith.constant 0 : i32
    %cond3A_158 = arith.cmpi ne, %convert_element_type3A, %cond3A : i32
    scf.if %cond3A_158 {
      "tpu.region"() ({
        %run_scoped3A = tpu.sem_alloc : memref<!tpu.dma_semaphore, #tpu.memory_space<semaphore_mem>>
        %dma_start3A_164 = arith.constant 0 : i32
        %dma_start3A_165 = tpu.memref_slice %arg7[%mul3A_2, %dma_start3A_164] : memref<10240x128xf32, #tpu.memory_space<hbm>> -> memref<640x128xf32, #tpu.memory_space<hbm>>
        %dma_start3A_166 = arith.constant 0 : i32
        %dma_start3A_167 = tpu.memref_slice %arg15[%mul3A_2, %dma_start3A_166] : memref<10240x128xf32, #tpu.memory_space<vmem_shared>> -> memref<640x128xf32, #tpu.memory_space<vmem_shared>>
        tpu.enqueue_dma source(%dma_start3A_167 : memref<640x128xf32, #tpu.memory_space<vmem_shared>>) target(%dma_start3A_165 : memref<640x128xf32, #tpu.memory_space<hbm>>) target_semaphore(%run_scoped3A : memref<!tpu.dma_semaphore, #tpu.memory_space<semaphore_mem>>)
        %dma_wait3A_168 = arith.constant 0 : i32
        %dma_wait3A_169 = tpu.memref_slice %arg7[%mul3A_2, %dma_wait3A_168] : memref<10240x128xf32, #tpu.memory_space<hbm>> -> memref<640x128xf32, #tpu.memory_space<hbm>>
        %dma_wait3A_170 = arith.constant 0 : i32
        %dma_wait3A_171 = tpu.memref_slice %arg15[%mul3A_2, %dma_wait3A_170] : memref<10240x128xf32, #tpu.memory_space<vmem_shared>> -> memref<640x128xf32, #tpu.memory_space<vmem_shared>>
        tpu.wait_dma2 semaphore(%run_scoped3A : memref<!tpu.dma_semaphore, #tpu.memory_space<semaphore_mem>>) src(%dma_wait3A_171 : memref<640x128xf32, #tpu.memory_space<vmem_shared>>) dst(%dma_wait3A_169 : memref<640x128xf32, #tpu.memory_space<hbm>>)
        tpu.yield
      }) : () -> ()
      "tpu.region"() ({
        %run_scoped3A = tpu.sem_alloc : memref<!tpu.dma_semaphore, #tpu.memory_space<semaphore_mem>>
        %dma_start3A_164 = tpu.memref_slice %arg9[%mul3A_2] : memref<10240xf32, #tpu.memory_space<hbm>> -> memref<640xf32, #tpu.memory_space<hbm>>
        %dma_start3A_165 = tpu.memref_slice %arg16[%mul3A_2] : memref<10240xf32, #tpu.memory_space<vmem_shared>> -> memref<640xf32, #tpu.memory_space<vmem_shared>>
        tpu.enqueue_dma source(%dma_start3A_165 : memref<640xf32, #tpu.memory_space<vmem_shared>>) target(%dma_start3A_164 : memref<640xf32, #tpu.memory_space<hbm>>) target_semaphore(%run_scoped3A : memref<!tpu.dma_semaphore, #tpu.memory_space<semaphore_mem>>)
        %dma_wait3A_166 = tpu.memref_slice %arg9[%mul3A_2] : memref<10240xf32, #tpu.memory_space<hbm>> -> memref<640xf32, #tpu.memory_space<hbm>>
        %dma_wait3A_167 = tpu.memref_slice %arg16[%mul3A_2] : memref<10240xf32, #tpu.memory_space<vmem_shared>> -> memref<640xf32, #tpu.memory_space<vmem_shared>>
        tpu.wait_dma2 semaphore(%run_scoped3A : memref<!tpu.dma_semaphore, #tpu.memory_space<semaphore_mem>>) src(%dma_wait3A_167 : memref<640xf32, #tpu.memory_space<vmem_shared>>) dst(%dma_wait3A_166 : memref<640xf32, #tpu.memory_space<hbm>>)
        tpu.yield
      }) : () -> ()
    } else {
    }
    %eq3A_159 = arith.constant 1 : i32
    %eq3A_160 = arith.cmpi eq, %arg0, %eq3A_159 : i32
    %convert_element_type3A_161 = arith.extui %eq3A_160 : i1 to i32
    %cond3A_162 = arith.constant 0 : i32
    %cond3A_163 = arith.cmpi ne, %convert_element_type3A_161, %cond3A_162 : i32
    scf.if %cond3A_163 {
      "tpu.region"() ({
        %run_scoped3A = tpu.sem_alloc : memref<!tpu.dma_semaphore, #tpu.memory_space<semaphore_mem>>
        %dma_start3A_164 = arith.constant 0 : i32
        %dma_start3A_165 = tpu.memref_slice %arg8[%mul3A_2, %dma_start3A_164] : memref<10240x128xf32, #tpu.memory_space<hbm>> -> memref<640x128xf32, #tpu.memory_space<hbm>>
        %dma_start3A_166 = arith.constant 0 : i32
        %dma_start3A_167 = tpu.memref_slice %arg15[%mul3A_2, %dma_start3A_166] : memref<10240x128xf32, #tpu.memory_space<vmem_shared>> -> memref<640x128xf32, #tpu.memory_space<vmem_shared>>
        tpu.enqueue_dma source(%dma_start3A_167 : memref<640x128xf32, #tpu.memory_space<vmem_shared>>) target(%dma_start3A_165 : memref<640x128xf32, #tpu.memory_space<hbm>>) target_semaphore(%run_scoped3A : memref<!tpu.dma_semaphore, #tpu.memory_space<semaphore_mem>>)
        %dma_wait3A_168 = arith.constant 0 : i32
        %dma_wait3A_169 = tpu.memref_slice %arg8[%mul3A_2, %dma_wait3A_168] : memref<10240x128xf32, #tpu.memory_space<hbm>> -> memref<640x128xf32, #tpu.memory_space<hbm>>
        %dma_wait3A_170 = arith.constant 0 : i32
        %dma_wait3A_171 = tpu.memref_slice %arg15[%mul3A_2, %dma_wait3A_170] : memref<10240x128xf32, #tpu.memory_space<vmem_shared>> -> memref<640x128xf32, #tpu.memory_space<vmem_shared>>
        tpu.wait_dma2 semaphore(%run_scoped3A : memref<!tpu.dma_semaphore, #tpu.memory_space<semaphore_mem>>) src(%dma_wait3A_171 : memref<640x128xf32, #tpu.memory_space<vmem_shared>>) dst(%dma_wait3A_169 : memref<640x128xf32, #tpu.memory_space<hbm>>)
        tpu.yield
      }) : () -> ()
      "tpu.region"() ({
        %run_scoped3A = tpu.sem_alloc : memref<!tpu.dma_semaphore, #tpu.memory_space<semaphore_mem>>
        %dma_start3A_164 = tpu.memref_slice %arg10[%mul3A_2] : memref<10240xf32, #tpu.memory_space<hbm>> -> memref<640xf32, #tpu.memory_space<hbm>>
        %dma_start3A_165 = tpu.memref_slice %arg16[%mul3A_2] : memref<10240xf32, #tpu.memory_space<vmem_shared>> -> memref<640xf32, #tpu.memory_space<vmem_shared>>
        tpu.enqueue_dma source(%dma_start3A_165 : memref<640xf32, #tpu.memory_space<vmem_shared>>) target(%dma_start3A_164 : memref<640xf32, #tpu.memory_space<hbm>>) target_semaphore(%run_scoped3A : memref<!tpu.dma_semaphore, #tpu.memory_space<semaphore_mem>>)
        %dma_wait3A_166 = tpu.memref_slice %arg10[%mul3A_2] : memref<10240xf32, #tpu.memory_space<hbm>> -> memref<640xf32, #tpu.memory_space<hbm>>
        %dma_wait3A_167 = tpu.memref_slice %arg16[%mul3A_2] : memref<10240xf32, #tpu.memory_space<vmem_shared>> -> memref<640xf32, #tpu.memory_space<vmem_shared>>
        tpu.wait_dma2 semaphore(%run_scoped3A : memref<!tpu.dma_semaphore, #tpu.memory_space<semaphore_mem>>) src(%dma_wait3A_167 : memref<640xf32, #tpu.memory_space<vmem_shared>>) dst(%dma_wait3A_166 : memref<640xf32, #tpu.memory_space<hbm>>)
        tpu.yield
      }) : () -> ()
    } else {
    }
    return
  }
}

module attributes {stable_mosaic.version = 14 : i64} {
  func.func @body(%arg0: i32, %arg1: memref<1280x128xf32, #tpu.memory_space<vmem>>, %arg2: memref<128x128xf32, #tpu.memory_space<vmem>>, %arg3: memref<128x128xf32, #tpu.memory_space<vmem>>, %arg4: memref<1280x128xf32, #tpu.memory_space<vmem>>, %arg5: memref<1280x128xf32, #tpu.memory_space<vmem>>, %arg6: memref<10240xf32, #tpu.memory_space<vmem>>, %arg7: memref<10240xf32, #tpu.memory_space<vmem>>, %arg8: memref<1280x128xf32, #tpu.memory_space<vmem>>) attributes {dimension_semantics = [#tpu.dimension_semantics<arbitrary>], iteration_bounds = array<i64: 8>, scalar_prefetch = 0 : i64, scratch_operands = 0 : i64, tpu.core_type = #tpu.core_type<tc>, window_params = [{transform_indices = @transform_0, window_bounds = array<i64: 1280, 128>}, {pipeline_mode = #tpu.pipeline_mode<synchronous>, transform_indices = @transform_1, window_bounds = array<i64: 128, 128>}, {pipeline_mode = #tpu.pipeline_mode<synchronous>, transform_indices = @transform_2, window_bounds = array<i64: 128, 128>}, {transform_indices = @transform_3, window_bounds = array<i64: 1280, 128>}, {transform_indices = @transform_4, window_bounds = array<i64: 1280, 128>}, {pipeline_mode = #tpu.pipeline_mode<synchronous>, transform_indices = @transform_5, window_bounds = array<i64: 10240>}, {pipeline_mode = #tpu.pipeline_mode<synchronous>, transform_indices = @transform_6, window_bounds = array<i64: 10240>}, {transform_indices = @transform_7, window_bounds = array<i64: 1280, 128>}]} {
    %get3A = arith.constant 0 : index
    %get3A_0 = arith.constant 0 : index
    %get3A_1 = vector.load %arg1[%get3A, %get3A_0] : memref<1280x128xf32, #tpu.memory_space<vmem>>, vector<1280x128xf32>
    %get3A_2 = arith.constant 0 : index
    %get3A_3 = arith.constant 0 : index
    %get3A_4 = vector.load %arg2[%get3A_2, %get3A_3] : memref<128x128xf32, #tpu.memory_space<vmem>>, vector<128x128xf32>
    %dot_general3A = arith.constant dense<0.000000e+00> : vector<1280x128xf32>
    %dot_general3A_5 = tpu.matmul %get3A_1, %get3A_4, %dot_general3A {dimension_numbers = #tpu.dot_dimension_numbers<[1], [1], [0], [0], [0, 0, 1, 0], [], []>, transpose_lhs_hint = false} : vector<1280x128xf32>, vector<128x128xf32>, vector<1280x128xf32> -> vector<1280x128xf32>
    %get3A_6 = arith.constant 0 : index
    %get3A_7 = arith.constant 0 : index
    %get3A_8 = vector.load %arg4[%get3A_6, %get3A_7] : memref<1280x128xf32, #tpu.memory_space<vmem>>, vector<1280x128xf32>
    %get3A_9 = arith.constant 0 : index
    %get3A_10 = arith.constant 0 : index
    %get3A_11 = vector.load %arg5[%get3A_9, %get3A_10] : memref<1280x128xf32, #tpu.memory_space<vmem>>, vector<1280x128xf32>
    %add3A = arith.addf %get3A_8, %get3A_11 : vector<1280x128xf32>
    %get3A_12 = arith.constant 0 : index
    %get3A_13 = arith.constant 0 : index
    %get3A_14 = vector.load %arg3[%get3A_12, %get3A_13] : memref<128x128xf32, #tpu.memory_space<vmem>>, vector<128x128xf32>
    %dot_general3A_15 = arith.constant dense<0.000000e+00> : vector<1280x128xf32>
    %dot_general3A_16 = tpu.matmul %add3A, %get3A_14, %dot_general3A_15 {dimension_numbers = #tpu.dot_dimension_numbers<[1], [1], [0], [0], [0, 0, 1, 0], [], []>, transpose_lhs_hint = false} : vector<1280x128xf32>, vector<128x128xf32>, vector<1280x128xf32> -> vector<1280x128xf32>
    %mul3A = arith.constant 1280 : i32
    %mul3A_17 = arith.muli %arg0, %mul3A : i32
    %get3A_18 = arith.index_cast %mul3A_17 : i32 to index
    %get3A_19 = vector.load %arg6[%get3A_18] : memref<10240xf32, #tpu.memory_space<vmem>>, vector<1280xf32>
    %mul3A_20 = arith.constant 1280 : i32
    %mul3A_21 = arith.muli %arg0, %mul3A_20 : i32
    %get3A_22 = arith.index_cast %mul3A_21 : i32 to index
    %get3A_23 = vector.load %arg7[%get3A_22] : memref<10240xf32, #tpu.memory_space<vmem>>, vector<1280xf32>
    %add3A_24 = arith.addf %get3A_19, %get3A_23 : vector<1280xf32>
    %max3A = arith.constant 1.000000e+00 : f32
    %max3A_25 = vector.broadcast %max3A : f32 to vector<1280xf32>
    %max3A_26 = arith.maximumf %add3A_24, %max3A_25 : vector<1280xf32>
    %div3A = arith.constant 1.000000e+00 : f32
    %div3A_27 = vector.broadcast %div3A : f32 to vector<1280xf32>
    %div3A_28 = arith.divf %div3A_27, %max3A_26 : vector<1280xf32>
    %broadcast_in_dim3A = vector.shape_cast %div3A_28 : vector<1280xf32> to vector<1280x1xf32>
    %mul3A_29 = vector.broadcast %broadcast_in_dim3A : vector<1280x1xf32> to vector<1280x128xf32>
    %mul3A_30 = arith.mulf %dot_general3A_16, %mul3A_29 : vector<1280x128xf32>
    %add3A_31 = arith.addf %dot_general3A_5, %mul3A_30 : vector<1280x128xf32>
    %tanh3A = math.tanh %add3A_31 : vector<1280x128xf32>
    %swap3A = arith.constant 0 : index
    %swap3A_32 = arith.constant 0 : index
    %swap3A_33 = vector.load %arg8[%swap3A, %swap3A_32] : memref<1280x128xf32, #tpu.memory_space<vmem>>, vector<1280x128xf32>
    tpu.vector_store %arg8[%swap3A, %swap3A_32], %tanh3A {strides = array<i32>} : memref<1280x128xf32, #tpu.memory_space<vmem>>, vector<1280x128xf32>,
    return
  }
  func.func @transform_0(%arg0: i32) -> (i32, i32) {
    %c0_i32 = arith.constant 0 : i32
    %c0_i32_0 = arith.constant 0 : i32
    return %arg0, %c0_i32 : i32, i32
  }
  func.func @transform_1(%arg0: i32) -> (i32, i32) {
    %c0_i32 = arith.constant 0 : i32
    %c0_i32_0 = arith.constant 0 : i32
    %c0_i32_1 = arith.constant 0 : i32
    return %c0_i32, %c0_i32_0 : i32, i32
  }
  func.func @transform_2(%arg0: i32) -> (i32, i32) {
    %c0_i32 = arith.constant 0 : i32
    %c0_i32_0 = arith.constant 0 : i32
    %c0_i32_1 = arith.constant 0 : i32
    return %c0_i32, %c0_i32_0 : i32, i32
  }
  func.func @transform_3(%arg0: i32) -> (i32, i32) {
    %c0_i32 = arith.constant 0 : i32
    %c0_i32_0 = arith.constant 0 : i32
    return %arg0, %c0_i32 : i32, i32
  }
  func.func @transform_4(%arg0: i32) -> (i32, i32) {
    %c0_i32 = arith.constant 0 : i32
    %c0_i32_0 = arith.constant 0 : i32
    return %arg0, %c0_i32 : i32, i32
  }
  func.func @transform_5(%arg0: i32) -> i32 {
    %c0_i32 = arith.constant 0 : i32
    %c0_i32_0 = arith.constant 0 : i32
    return %c0_i32 : i32
  }
  func.func @transform_6(%arg0: i32) -> i32 {
    %c0_i32 = arith.constant 0 : i32
    %c0_i32_0 = arith.constant 0 : i32
    return %c0_i32 : i32
  }
  func.func @transform_7(%arg0: i32) -> (i32, i32) {
    %c0_i32 = arith.constant 0 : i32
    %c0_i32_0 = arith.constant 0 : i32
    return %arg0, %c0_i32 : i32, i32
  }
}

</mosaic_0001>

<sc_bundles>
// kernel: kernel.4.cloned.1.call-start
scs
__scs_entry_jumppad:
0x0: {  	(pc) =	sbr.rel $0x88, $3  }
0x1: {  	(tag) =	ssettag $0x0;
	lr =	simm.s32 $0x1  }
0x2: {  	[smem:$0x3F9C] =	sst lr;
	_ =	strace $0xD0000000  }
0x3: {  	_ = 	snop  }
0x4: {  	_ = 	snop  }
0x5: {  	_ = 	snop  }
0x6: {  	_ = 	snop  }
0x7: {  	_ = 	snop  }
__scs_overlays_trampoline_lowered:
0x8: {  	[smem:$0x3FAB] =	sst s0  }
0x9: {  	[smem:$0x3FAC] =	sst s1  }
0xa: {  	[smem:$0x3FAD] =	sst s2  }
0xb: {  	[smem:$0x3FAE] =	sst s3  }
0xc: {  	[smem:$0x3FAF] =	sst s4  }
0xd: {  	[smem:$0x3FB0] =	sst s5  }
0xe: {  	[smem:$0x3FB1] =	sst s6  }
0xf: {  	[smem:$0x3FB2] =	sst s7  }
0x10: {  	[smem:$0x3FB3] =	sst s8  }
0x11: {  	[smem:$0x3FB4] =	sst s9;
	s0 =	simm.s32 @!p0 $0x0  }
0x12: {  	s1 =	sld [smem:$0x3F9A];
	s0 =	simm.s32 @p0 $0x1  }
0x13: {  	[smem:$0x3FB5] =	sst s0;
	s0 =	simm.s32 @!p1 $0x0  }
0x14: {  	s2 =	sld [smem:$0x3F99];
	s0 =	simm.s32 @p1 $0x1  }
0x15: {  	[smem:$0x3FB6] =	sst s0;
	s0 =	simm.s32 @!p2 $0x0  }
0x16: {  	s3 =	sld [smem:$0x3FDB];
	s0 =	simm.s32 @p2 $0x1  }
0x17: {  	s4 =	simm.s32 $0x1BF5;
	[smem:$0x3FB8] =	sst s0  }
0x18: {  	s0 =	sld [smem:$0x3F9B];
	_ =	swait.ge [sflag:s4], $0x0  }
0x19: {  	s7 =	sld [smem:$0x3F9C]  }
0x1a: {  	s8 =	sadd.s32 $0xFFFFE003, lr  }
0x1b: {  	s9 =	sadd.s32 $0xFFFFFEF7, lr;
	s5 =	simm.s32 $0xFFFFFFFF;
	p2 =	slt.u32 s8, $0xFFFFF086  }
0x1c: {  	p1 =	slt.u32 s9, $0xF7A;
	s5 =	simm.s32 @!p2 $0x0  }
0x1d: {  	s5 =	simm.s32 @p1 $0x1;
	p0 =	seq.s32 s7, s2  }
0x1e: {  	s7 =	smul.u32 @!p0 $0xF7A, s2;
	p2 =	seq.s32 @!p0 s5, $0x0  }
0x1f: {  	s9 =	smul.u32 $0xF7A, s1;
	s8 =	simm.s32 @!p0 $0x1BF5;
	p2 =	por !p2, p0  }
0x20: {  	[sflag:s8] =	ssyncset.s32 @!p0 $0xFFFFF086;
	s6 =	sadd.s32 @!p0 s3, s7;
	s7 =	simm.s32 @!p0 $0x108  }
0x21: {  	s3 =	sadd.s32 s3, s9;
	s6 =	sadd.s32 @!p0 $0x88, s6;
	s7 =	simm.s32 @p2 $0x1082  }
0x22: {  	[simem:s7], [sflag:s8] =	dma.local @!p0 [hbm:s6], $0xF7A  }
0x23: {  	s9 =	sor.u32 $0xD0000000, s2;
	s6 =	simm.s32 $0x108;
	_ =	swait.ge @!p0 [sflag:s8], $0x0  }
0x24: {  	s3 =	sadd.s32 $0x88, s3;
	s6 =	simm.s32 @!p1 $0x1082;
	[sflag:s4] =	ssyncset.s32 $0xFFFFF086  }
0x25: {  	[simem:s6], [sflag:s4] =	dma.local [hbm:s3], $0xF7A  }
0x26: {  	[smem:$0x3F9C] =	sst s1;
	(tag) =	ssettag s2;
	_ =	strace s9  }
0x27: {  	s1 =	sld [smem:$0x3FAC]  }
0x28: {  	s2 =	sld [smem:$0x3FAD]  }
0x29: {  	s4 =	sld [smem:$0x3FAF]  }
0x2a: {  	p0 =	seq.s32 s5, $0x0;
	s5 =	sld [smem:$0x3FB0]  }
0x2b: {  	s6 =	sld [smem:$0x3FB1]  }
0x2c: {  	s7 =	sld [smem:$0x3FB2]  }
0x2d: {  	s3 =	simm.s32 $0x108;
	s8 =	sld [smem:$0x3FB3]  }
0x2e: {  	s3 =	simm.s32 @!p0 $0x1082;
	s9 =	sld [smem:$0x3FB4]  }
0x2f: {  	lr =	sadd.s32 s0, s3;
	s0 =	sld [smem:$0x3FAB]  }
0x30: {  	s3 =	sld [smem:$0x3FAE]  }
0x31: {  	[smem:$0x3FB7] =	sst s10  }
0x32: {  	s10 =	sld [smem:$0x3FB5];
	_ =	sdelay $0x3  }
0x33: {  	p0 =	seq.s32 s10, $0x1;
	s10 =	sld [smem:$0x3FB7];
	_ =	sdelay $0x3  }
0x34: {  	[smem:$0x3FB7] =	sst s10  }
0x35: {  	s10 =	sld [smem:$0x3FB6];
	_ =	sdelay $0x3  }
0x36: {  	p1 =	seq.s32 s10, $0x1;
	s10 =	sld [smem:$0x3FB7];
	_ =	sdelay $0x3  }
0x37: {  	[smem:$0x3FB7] =	sst s10  }
0x38: {  	s10 =	sld [smem:$0x3FB8]  }
0x39: {  	_ = 	snop;
	(pc) =	sbr.ind lr, $3  }
0x3a: {  	_ = 	snop  }
0x3b: {  	_ = 	snop  }
0x3c: {  	p2 =	seq.s32 s10, $0x1;
	s10 =	sld [smem:$0x3FB7]  }
0x3d: {  	_ =	shalt  }
0x3e: {  	_ =	shalt  }
0x3f: {  	_ =	shalt  }
0x40: {  	_ =	shalt  }
0x41: {  	_ =	shalt  }
0x42: {  	_ =	shalt  }
0x43: {  	_ =	shalt  }
0x44: {  	_ =	shalt  }
0x45: {  	_ =	shalt  }
0x46: {  	_ =	shalt  }
0x47: {  	_ =	shalt  }
0x48: {  	_ =	shalt  }
0x49: {  	_ =	shalt  }
0x4a: {  	_ =	shalt  }
0x4b: {  	_ =	shalt  }
0x4c: {  	_ =	shalt  }
0x4d: {  	_ =	shalt  }
0x4e: {  	_ =	shalt  }
0x4f: {  	_ =	shalt  }
0x50: {  	_ =	shalt  }
0x51: {  	_ =	shalt  }
0x52: {  	_ =	shalt  }
0x53: {  	_ =	shalt  }
0x54: {  	_ =	shalt  }
0x55: {  	_ =	shalt  }
0x56: {  	_ =	shalt  }
0x57: {  	_ =	shalt  }
0x58: {  	_ =	shalt  }
0x59: {  	_ =	shalt  }
0x5a: {  	_ =	shalt  }
0x5b: {  	_ =	shalt  }
0x5c: {  	_ =	shalt  }
0x5d: {  	_ =	shalt  }
0x5e: {  	_ =	shalt  }
0x5f: {  	_ =	shalt  }
0x60: {  	_ =	shalt  }
0x61: {  	_ =	shalt  }
0x62: {  	_ =	shalt  }
0x63: {  	_ =	shalt  }
0x64: {  	_ =	shalt  }
0x65: {  	_ =	shalt  }
0x66: {  	_ =	shalt  }
0x67: {  	_ =	shalt  }
0x68: {  	_ =	shalt  }
0x69: {  	_ =	shalt  }
0x6a: {  	_ =	shalt  }
0x6b: {  	_ =	shalt  }
0x6c: {  	_ =	shalt  }
0x6d: {  	_ =	shalt  }
0x6e: {  	_ =	shalt  }
0x6f: {  	_ =	shalt  }
0x70: {  	_ =	shalt  }
0x71: {  	_ =	shalt  }
0x72: {  	_ =	shalt  }
0x73: {  	_ =	shalt  }
0x74: {  	_ =	shalt  }
0x75: {  	_ =	shalt  }
0x76: {  	_ =	shalt  }
0x77: {  	_ =	shalt  }
0x78: {  	_ =	shalt  }
0x79: {  	_ =	shalt  }
0x7a: {  	_ =	shalt  }
0x7b: {  	_ =	shalt  }
0x7c: {  	_ =	shalt  }
0x7d: {  	_ =	shalt  }
0x7e: {  	_ =	shalt  }
0x7f: {  	_ =	shalt  }
0x80: {  	_ =	shalt  }
0x81: {  	_ =	shalt  }
0x82: {  	_ =	shalt  }
0x83: {  	_ =	shalt  }
0x84: {  	_ =	shalt  }
0x85: {  	_ =	shalt  }
0x86: {  	_ =	shalt  }
0x87: {  	_ =	shalt  }
.Lfunc_end0:
.L_simem_size_0:
called_computation_lowered:
.L_overlay_start_0:
0x88: {  	s2 =	sld [smem:$0x3FD9]  }
0x89: {  	s3 =	sld [smem:$0x3FFE];
	_ =	sdelay $0x1  }
0x8a: {  	s1 =	srdreg.scid  }
0x8b: {  	s0 =	sand.u32 $0x1, s1  }
0x8c: {  	s17 =	sshll.u32 s0, $0xA;
	s2 =	sadd.s32 s3, s2  }
0x8d: {  	s2 =	sadd.s32 s2, s17  }
0x8e: {  	[smem:$0x3FC3] =	sst s2  }
0x8f: {  	_ = 	snop  }
0x90: {  	s2 =	sld [smem:$0x3FC8]  }
0x91: {  	s18 =	sld [smem:$0x3FD0];
	(tm) =	ssettm $0x1  }
0x92: {  	s4 =	sld [smem:$0x3FFB];
	_ =	sdelay $0x3  }
0x93: {  	_ =	strace s4  }
0x94: {  	s4 =	sld [smem:$0x3FFC];
	_ =	sdelay $0x3  }
0x95: {  	_ =	strace s4  }
0x96: {  	s4 =	sld [smem:$0x3FFD];
	_ =	sdelay $0x3  }
0x97: {  	_ =	strace s4  }
0x98: {  	_ =	strace $0x8FFFFFFF  }
0x99: {  	s19 =	sld [smem:$0x3FDB];
	_ =	sdelay $0x1  }
0x9a: {  	s5 =	simm.s32 $_scs_section_size  }
0x9b: {  	s6 =	simm.s32 $_size__tile_overlayer_lowered;
	s7 =	simm.s32 $_tile_overlayer_lowered  }
0x9c: {  	s22 =	simm.s32 $0x1BFF;
	s21 =	sshll.u32 s7, $0x1;
	s4 =	sadd.s32 s5, s19  }
0x9d: {  	s8 =	simm.s32 $0x0;
	s20 =	sshll.u32 s6, $0x1;
	s6 =	sadd.s32 s21, s4  }
0x9e: {  	[timem:s8], [sflag:s22] =	dma.local [hbm:s6], s20  }
0x9f: {  	_ =	swait.ge [sflag:s22], s20  }
0xa0: {  	s5 =	ssub.s32 $0x0, s20;
	[sflag:s22] =	ssyncset.done $0x0  }
0xa1: {  	[sflag:s22] =	ssyncadd.s32 s5;
	_ =	sdelay $0x1  }
0xa2: {  	s23 =	simm.s32 $0x1B8B  }
0xa3: {  	_ =	swait.ge [sflag:s23], $0x1  }
0xa4: {  	[sflag:s23] =	ssyncset.done $0x0  }
0xa5: {  	s25 =	simm.s32 $0x1B8E;
	s24 =	sld [smem:$0x3FFE];
	[sflag:s23] =	ssyncadd.s32 $0xFFFFFFFF  }
0xa6: {  	s26 =	simm.s32 $execute0_lowered;
	[smem:$0x3FD2] =	sst s25  }
0xa7: {  	s6 =	sshll.u32 s26, $0x1;
	_ =	strace $0x80000046;
	[dreg:$0x1] =	wrdreg $0xFFFFFFFF  }
0xa8: {  	s28 =	simm.s32 $_size_execute0_lowered;
	s4 =	sadd.s32 s4, s6;
	[dreg:$0x0] =	wrdreg $0x0  }
0xa9: {  	s6 =	sshll.u32 s28, $0x1;
	[dreg:$0x2] =	wrdreg s4  }
0xaa: {  	[dreg:$0x3] =	wrdreg s6  }
0xab: {  	[dreg:$0x4] =	wrdreg $0xC0  }
0xac: {  	_ =	task [dreg:s8], $0x5FFFF  }
0xad: {  	[dreg:$0x1] =	wrdreg $0xFFFFFFFF  }
0xae: {  	[dreg:$0x0] =	wrdreg $0x60  }
0xaf: {  	[dreg:$0x2] =	wrdreg s24  }
0xb0: {  	[dreg:$0x3] =	wrdreg s2  }
0xb1: {  	[dreg:$0x4] =	wrdreg s18  }
0xb2: {  	[dreg:$0x5] =	wrdreg $0xA8800  }
0xb3: {  	[dreg:$0x6] =	wrdreg $0x1E8800  }
0xb4: {  	[dreg:$0x7] =	wrdreg $0x9  }
0xb5: {  	_ =	task.clear_ibuf [dreg:s8], $0x8FFFF;
	_ =	strace $0x90000046  }
0xb6: {  	s29 =	simm.s32 $0x9;
	_ =	strace $0x80000048  }
0xb7: {  	_ =	swait.ge [sflag:s29], $0x1  }
0xb8: {  	[sflag:s29] =	ssyncadd.s32 $0xFFFFFFFF  }
0xb9: {  	_ =	strace $0x90000048  }
0xba: {  	_ =	sfence  }
0xbb: {  	s30 =	sld [smem:$0x0];
	_ =	sdelay $0x2  }
0xbc: {  	s31 =	sshll.u32 s1, $0xD;
	s1 =	sshrl.u32 s1, $0x2  }
0xbd: {  	s3 =	sand.u32 $0x4000, s31;
	s1 =	sadd.s32 s1, s30  }
0xbe: {  	s0 =	sor.u32 s3, s0;
	s1 =	sshll.u32 s1, $0x11  }
0xbf: {  	s0 =	sor.u32 s1, s0  }
0xc0: {  	s0 =	sadd.s32 $0x8F2B, s0  }
0xc1: {  	[sflag:s0] =	ssyncadd.remote.s32 $0x1  }
0xc2: {  	_ =	sfence.sel $0xFFFF  }
0xc3: {  	[dreg:$0x0] =	wrdreg $0xFFFFFFFF;
	(pc) =	sbr.abs _section_cstart, $3  }
0xc4: {  	[dreg:$0x1] =	wrdreg $0xFFFFFFFF  }
0xc5: {  	_ =	task.clear_ibuf [dreg:s8], $0x2FFFF;
	_ =	strace $0x9FFFFFFF  }
0xc6: {  	(tm) =	ssettm $0x7FFFFFFF  }
0xc7: {  	_ =	shalt  }
tec
execute0_lowered:
.L_overlay_start_1:
0x0: {  	(tag) =	ssettag $0x1  }
0x1: {  	s0 =	rddreg [dreg:$0x0]  }
0x2: {  	s1 =	rddreg [dreg:$0x1]  }
0x3: {  	s3 =	rddreg [dreg:$0x3]  }
0x4: {  	s4 =	rddreg [dreg:$0x4];
	s5 =	simm.s32 $0x0;
	s2 =	srdreg.scid  }
0x5: {  	s18 =	stileid.u32;
	s28 =	simm.s32 $0x50;
	s29 =	simm.s32 $0x800  }
0x6: {  	s30 =	simm.s32 $0x80;
	s31 =	simm.s32 $0x5800;
	[smem:$0x7FF] =	sst s5  }
0x7: {  	s7 =	sadd.s32 $0x40600, s0;
	s8 =	sadd.s32 $0x1E00, s0;
	s11 =	smul.u32 $0x280, s18  }
0x8: {  	s2 =	sand.u32 $0x1, s2;
	s6 =	sadd.s32 $0x68600, s0;
	s24 =	smul.u32 $0x50000, s18  }
0x9: {  	s9 =	sadd.s32 $0x68800, s0;
	s12 =	sadd.s32 $0x90800, s0;
	s19 =	smul.u32 $0x7D, s18  }
0xa: {  	s13 =	sadd.s32 $0xB8800, s0;
	s0 =	sadd.s32 $0xB8E00, s0;
	s21 =	smul.u32 $0x2800, s18  }
0xb: {  	_ =	strace $0x80000047;
	[dreg:$0x6] =	wrdreg s6;
	s23 =	sshll.u32 s2, $0x4  }
0xc: {  	s15 =	ssub.s32 $0x2, s2;
	s17 =	smul.u32 $0x7D0, s2;
	s6 =	sor.u32 s18, s23  }
0xd: {  	p0 =	seq.s32 s2, $0x1;
	s16 =	sshrl.u32 s15, $0x1;
	s14 =	smul.u32 $0xFA00, s6  }
0xe: {  	s20 =	sadd.s32 s11, s4;
	s11 =	sshrl.u32 s11, $0x3;
	s10 =	smul.u32 $0x7D, s6  }
0xf: {  	s9 =	smov.u32 @p0 s12;
	s13 =	smov.u32 @p0 s0;
	s6 =	smul.u32 $0x1F40, s6  }
0x10: {  	s16 =	ssub.s32 s15, s16;
	[dreg:$0xc] =	wrdreg s20;
	s2 =	sadd.s32 s9, s21  }
0x11: {  	s12 =	simm.s32 $0x0;
	s22 =	smax.u32 s16, $0x1;
	[dreg:$0xe] =	wrdreg s2  }
0x12: {  	s14 =	sshrl.u32 s14, $0x3;
	s6 =	sadd.s32 s8, s6;
	[dreg:$0xd] =	wrdreg s22  }
0x13: {  	s15 =	sshll.u32 s18, $0x6;
	s14 =	sadd.s32 s8, s14;
	[dreg:$0x7] =	wrdreg s6  }
0x14: {  	s25 =	sadd.s32 $0x40, s14;
	s26 =	sadd.s32 $0x80, s14;
	s14 =	sshrl.u32 s24, $0x2  }
0x15: {  	s9 =	simm.s32 $0xA800;
	[dreg:$0x8] =	wrdreg s25;
	s6 =	sadd.s32 s14, s3  }
0x16: {  	s2 =	simm.s32 $0x7;
	[dreg:$0xa] =	wrdreg s6;
	s6 =	sadd.s32 s19, s17  }
0x17: {  	s24 =	sadd.s32 s13, s11;
	[dreg:$0x9] =	wrdreg s26;
	s23 =	sshll.u32 s6, $0x6  }
0x18: {  	s14 =	sor.u32 $0x1C0B, s15;
	[dreg:$0xf] =	wrdreg s24;
	s0 =	sadd.s32 s23, s8  }
.Ltmp0:
0x19: {  	[dreg:$0xb] =	wrdreg s14;
	s25 =	sadd.s32 $0x180, s0;
	(pc) =	sbr.rel .LBB2_1-.Ltmp0, $4  }
0x1a: {  	s11 =	simm.s32 $0x9;
	s26 =	sadd.s32 $0x140, s0;
	[dreg:$0x10] =	wrdreg s25  }
0x1b: {  	s24 =	simm.s32 $0x400;
	s0 =	sadd.s32 $0x100, s0;
	[dreg:$0x11] =	wrdreg s26  }
0x1c: {  	s6 =	simm.s32 $0x5;
	s23 =	simm.s32 $0x100;
	[dreg:$0x12] =	wrdreg s0  }
0x1d: {  	v0 =	vimm.f32 $1.000000000e+00;
	s25 =	simm.s32 $0xB;
	s26 =	simm.s32 $0x1;
	s0 =	simm.s32 $0x600  }
.LBB2_9:
0x1e: {  	[bflag:$0x0] =	sbarrier.arrive $0xFFFF  }
0x1f: {  	s14 =	rddreg [dreg:$0xb]  }
0x20: {  	s13 =	rddreg [dreg:$0xe]  }
0x21: {  	s15 =	rddreg [dreg:$0x13]  }
0x22: {  	[hbm:s13], [sflag:s14] =	dma.local [spmem:s15], $0x2800  }
0x23: {  	_ =	swait.ge [sflag:s25], $0x2800  }
0x24: {  	[sflag:s25] =	ssyncset.done $0x0;
	s20 =	rddreg [dreg:$0xf]  }
0x25: {  	s21 =	rddreg [dreg:$0x14];
	[sflag:s25] =	ssyncadd.s32 $0xFFFFD800  }
0x26: {  	[hbm:s20], [sflag:s14] =	dma.local [spmem:s21], $0x50  }
0x27: {  	_ =	swait.ge [sflag:s25], $0x50  }
0x28: {  	s12 =	sadd.s32 $0x1, s12;
	s22 =	rddreg [dreg:$0xd]  }
0x29: {  	p0 =	sne.s32 s12, s22  }
.Ltmp1:
0x2a: {  	_ = 	snop;
	(pc) =	sbr.rel @!p0 .LBB2_10-.Ltmp1, $3  }
0x2b: {  	_ =	sdelay $0x1  }
0x2c: {  	[sflag:s25] =	ssyncset.done $0x0  }
0x2d: {  	[sflag:s25] =	ssyncadd.s32 $0xFFFFFFB0  }
.LBB2_1:
0x2e: {  	s13 =	rddreg [dreg:$0x7]  }
0x2f: {  	s22 =	rddreg [dreg:$0x8]  }
0x30: {  	s16 =	rddreg [dreg:$0x9]  }
0x31: {  	s17 =	rddreg [dreg:$0xa]  }
0x32: {  	[tilespmem:s5], [sflag:$0x1] =	stream.linear.gather [hbm4b:s13+s5], $0x180, $0x38;
	[tilespmem:$0x1EB00] =	vst v63  }
0x33: {  	s15 =	simm.s32 $0x200;
	s19 =	rddreg [dreg:$0x2];
	s18 =	sshrl.u32 s17, $0x3  }
0x34: {  	[tilespmem:s15], [sflag:$0x2] =	stream.linear.gather [hbm4b:s22+s5], $0x180, $0x38;
	[tilespmem:$0x1EB00] =	vst v63  }
0x35: {  	[dreg:$0x13] =	wrdreg s18  }
0x36: {  	[tilespmem:s24], [sflag:$0x3] =	stream.linear.gather [hbm4b:s16+s5], $0x180, $0x38;
	[tilespmem:$0x1EB00] =	vst v63  }
0x37: {  	[spmem:s18], [sflag:s14] =	dma.local [hbm:s19], $0x2800  }
0x38: {  	_ =	swait.ge [sflag:s25], $0x2800  }
0x39: {  	s20 =	rddreg [dreg:$0xc]  }
0x3a: {  	[sflag:s25] =	ssyncset.done $0x0;
	s22 =	rddreg [dreg:$0x6];
	s21 =	sshrl.u32 s20, $0x3  }
0x3b: {  	[sflag:s25] =	ssyncadd.s32 $0xFFFFD800;
	[dreg:$0x14] =	wrdreg s21  }
0x3c: {  	[spmem:s21], [sflag:s14] =	dma.local [hbm:s22], $0x50  }
0x3d: {  	_ =	swait.ge [sflag:s25], $0x50  }
0x3e: {  	[sflag:s25] =	ssyncset.done $0x0  }
0x3f: {  	[sflag:s25] =	ssyncadd.s32 $0xFFFFFFB0  }
0x40: {  	[tilespmem:$0xA800] =	vst v0  }
0x41: {  	[tilespmem:$0xA810] =	vst v0  }
0x42: {  	[tilespmem:$0xA820] =	vst v0  }
0x43: {  	[tilespmem:$0xA830] =	vst v0  }
0x44: {  	[tilespmem:$0xA840] =	vst v0  }
0x45: {  	[bflag:$0x0] =	sbarrier.arrive $0xFFFF  }
0x46: {  	_ =	swait.ge [sflag:s26], $0x180  }
.Ltmp2:
0x47: {  	[sflag:s26] =	ssyncset.done $0x0;
	s22 =	rddreg [dreg:$0x12];
	(pc) =	sbr.rel .LBB2_2-.Ltmp2, $4  }
0x48: {  	s21 =	rddreg [dreg:$0x11];
	[sflag:s26] =	ssyncadd.s32 $0xFFFFFE80  }
0x49: {  	[tilespmem:s29], [sflag:$0x5] =	stream.indirect.gather [hbm4b:s7+s28], $0x80, s5, s28, $0xb8;
	[tilespmem:$0x1EB00] =	vst v63  }
0x4a: {  	s19 =	simm.s32 $0x3;
	s18 =	simm.s32 $0x0;
	s20 =	rddreg [dreg:$0x10]  }
0x4b: {  	[tilespmem:s31], [sflag:$0x7] =	stream.indirect.gather [hbm4b:s1+s28], $0x80, s30, s28, $0xb8;
	[tilespmem:$0x1EB00] =	vst v63  }
.LBB2_5:
0x4c: {  	[tilespmem:s24], [sflag:$0x3] =	stream.linear.gather [hbm4b:s20+s5], $0x180, $0x38;
	[tilespmem:$0x1EB00] =	vst v63  }
.LBB2_7:
0x4d: {  	_ =	swait.ge [sflag:s26], $0x180  }
0x4e: {  	[sflag:s26] =	ssyncset.done $0x0  }
0x4f: {  	[sflag:s26] =	ssyncadd.s32 $0xFFFFFE80  }
0x50: {  	[tilespmem:s29], [sflag:$0x5] =	stream.indirect.gather [hbm4b:s7+s28], $0x80, s5, s28, $0xb8;
	[tilespmem:$0x1EB00] =	vst v63  }
0x51: {  	_ = 	snop  }
0x52: {  	[tilespmem:s31], [sflag:$0x7] =	stream.indirect.gather [hbm4b:s1+s28], $0x80, s30, s28, $0xb8;
	[tilespmem:$0x1EB00] =	vst v63  }
.LBB2_8:
0x53: {  	s13 =	simm.s32 @p0 $0x6  }
0x54: {  	_ =	swait.ge @p0 [sflag:s13], $0x2800  }
0x55: {  	[sflag:s13] =	ssyncset.done @p0 $0x0  }
0x56: {  	[sflag:s13] =	ssyncadd.s32 @p0 $0xFFFFD800;
	s13 =	simm.s32 @p0 $0x8  }
0x57: {  	_ =	swait.ge @p0 [sflag:s13], $0x2800  }
0x58: {  	s14 =	simm.s32 @p0 $0x700;
	[sflag:s13] =	ssyncset.done @p0 $0x0  }
0x59: {  	s15 =	simm.s32 @p0 $0x3000;
	[sflag:s13] =	ssyncadd.s32 @p0 $0xFFFFD800;
	s13 =	simm.s32 @p0 $0x50  }
0x5a: {  	[spmem:s3] =	stream.indirect.scatter.add.f32 @p0 [tilespmem:s15], [sflag:$0xA], $0x80, s14, s13, $0xb8;
	[tilespmem:$0x1EB00] =	vst v63  }
0x5b: {  	s15 =	simm.s32 @p0 $0x8000  }
0x5c: {  	[spmem:s3] =	stream.indirect.scatter.add.f32 @p0 [tilespmem:s15], [sflag:$0xA], $0x80, s14, s13, $0xb8;
	[tilespmem:$0x1EB00] =	vst v63  }
0x5d: {  	s19 =	sadd.s32 $0x4, s19;
	s15 =	simm.s32 @p0 $0xA800  }
0x5e: {  	[spmem:s4] =	stream.indirect.scatter.add.f32 @p0 [tilespmem:s15], [sflag:$0xA], $0x1, s14, s13, $0xb8;
	[tilespmem:$0x1EB00] =	vst v63  }
0x5f: {  	p0 =	sne.s32 s19, $0x83  }
.Ltmp3:
0x60: {  	_ = 	snop;
	(pc) =	sbr.rel @!p0 .LBB2_9-.Ltmp3, $3  }
0x61: {  	_ =	sdelay $0x1  }
0x62: {  	s18 =	sadd.s32 $0x1, s18  }
0x63: {  	s20 =	sadd.s32 $0x100, s20;
	s21 =	sadd.s32 $0x100, s21;
	s22 =	sadd.s32 $0x100, s22  }
.LBB2_2:
0x64: {  	s17 =	sadd.s32 $0xFFFFFFFC, s19  }
0x65: {  	p1 =	sgt.u32 s17, $0x7C  }
0x66: {  	s17 =	simm.s32 @!p1 $0xA  }
0x67: {  	_ =	swait.ge @!p1 [sflag:s17], $0x2800  }
0x68: {  	[sflag:s17] =	ssyncset.done @!p1 $0x0  }
0x69: {  	p0 =	sgt.u32 @!p1 s19, $0x7C;
	[sflag:s17] =	ssyncadd.s32 @!p1 $0xFFFFD800  }
0x6a: {  	p2 =	por p1, !p0;
	_ =	swait.ge @!p1 [sflag:s17], $0x2800  }
.Ltmp4:
0x6b: {  	[sflag:s17] =	ssyncset.done @!p1 $0x0;
	(pc) =	sbr.rel @!p2 .LBB2_4-.Ltmp4, $4  }
0x6c: {  	[sflag:s17] =	ssyncadd.s32 @!p1 $0xFFFFD800  }
0x6d: {  	_ =	swait.ge @!p1 [sflag:s17], $0x50  }
0x6e: {  	[sflag:s17] =	ssyncset.done @!p1 $0x0  }
0x6f: {  	p0 =	por @!p1 $0x0, $0x0;
	[sflag:s17] =	ssyncadd.s32 @!p1 $0xFFFFFFB0;
	s17 =	smov.u32 s19  }
0x70: {  	s17 =	smov.u32 s19  }
0x71: {  	s17 =	simm.s32 @p1 $0x3  }
0x72: {  	s16 =	sadd.s32 s10, s17  }
0x73: {  	s16 =	sshll.u32 s16, $0x6  }
0x74: {  	s16 =	sand.u32 $0x1FFFFFC0, s16  }
0x75: {  	p0 =	por $0x1, $0x1;
	s16 =	sadd.s32 s8, s16  }
0x76: {  	[tilespmem:s0], [sflag:$0x4] =	stream.linear.gather [hbm4b:s16+s5], $0x180, $0x38;
	[tilespmem:$0x1EB00] =	vst v63  }
.LBB2_4:
0x77: {  	p1 =	sgt.u32 s18, $0x1E  }
0x78: {  	s16 =	simm.s32 @!p1 $0x2  }
0x79: {  	_ =	swait.ge @!p1 [sflag:s16], $0x180  }
0x7a: {  	s13 =	simm.s32 @!p1 $0x200;
	[sflag:s16] =	ssyncset.done @!p1 $0x0  }
0x7b: {  	s14 =	simm.s32 @!p1 $0x3000;
	[sflag:s16] =	ssyncadd.s32 @!p1 $0xFFFFFE80;
	s16 =	simm.s32 @!p1 $0x50  }
0x7c: {  	[tilespmem:s14], [sflag:$0x6] =	stream.indirect.gather @!p1 [hbm4b:s7+s16], $0x80, s13, s16, $0xb8;
	[tilespmem:$0x1EB00] =	vst v63  }
0x7d: {  	s13 =	simm.s32 @!p1 $0x280;
	s14 =	simm.s32 @!p1 $0x8000  }
0x7e: {  	[tilespmem:s14], [sflag:$0x8] =	stream.indirect.gather @!p1 [hbm4b:s1+s16], $0x80, s13, s16, $0xb8;
	[tilespmem:$0x1EB00] =	vst v63  }
0x7f: {  	_ =	swait.ge [sflag:s6], $0x2800  }
0x80: {  	[sflag:s6] =	ssyncset.done $0x0  }
0x81: {  	[sflag:s6] =	ssyncadd.s32 $0xFFFFD800  }
0x82: {  	_ =	swait.ge [sflag:s2], $0x2800  }
0x83: {  	[sflag:s2] =	ssyncset.done $0x0  }
0x84: {  	[sflag:s2] =	ssyncadd.s32 $0xFFFFD800  }
0x85: {  	[spmem:s3] =	stream.indirect.scatter.add.f32 [tilespmem:s29], [sflag:$0x9], $0x80, s23, s28, $0xb8;
	[tilespmem:$0x1EB00] =	vst v63  }
0x86: {  	_ = 	snop  }
0x87: {  	[spmem:s3] =	stream.indirect.scatter.add.f32 [tilespmem:s31], [sflag:$0x9], $0x80, s23, s28, $0xb8;
	[tilespmem:$0x1EB00] =	vst v63  }
0x88: {  	_ = 	snop  }
0x89: {  	[spmem:s4] =	stream.indirect.scatter.add.f32 [tilespmem:s9], [sflag:$0x9], $0x1, s23, s28, $0xb8;
	[tilespmem:$0x1EB00] =	vst v63  }
0x8a: {  	_ =	swait.ge [sflag:s11], $0x2800  }
0x8b: {  	[sflag:s11] =	ssyncset.done $0x0  }
0x8c: {  	[sflag:s11] =	ssyncadd.s32 $0xFFFFD800  }
0x8d: {  	_ =	swait.ge [sflag:s11], $0x2800  }
0x8e: {  	[sflag:s11] =	ssyncset.done $0x0  }
0x8f: {  	[sflag:s11] =	ssyncadd.s32 $0xFFFFD800  }
0x90: {  	_ =	swait.ge [sflag:s11], $0x50  }
0x91: {  	p1 =	seq.s32 s19, $0x7F;
	[sflag:s11] =	ssyncset.done $0x0  }
0x92: {  	s13 =	simm.s32 @!p1 $0x0;
	[sflag:s11] =	ssyncadd.s32 $0xFFFFFFB0  }
0x93: {  	[tilespmem:s13], [sflag:$0x1] =	stream.linear.gather @!p1 [hbm4b:s22+s13], $0x180, $0x38;
	[tilespmem:$0x1EB00] =	vst v63  }
0x94: {  	s13 =	sadd.s32 @!p1 $0xFFFFFFFF, s19  }
0x95: {  	p2 =	sgt.u32 @!p1 s13, $0x7C  }
0x96: {  	p2 =	por p2, p1  }
0x97: {  	s14 =	simm.s32 @!p2 $0x3  }
0x98: {  	_ =	swait.ge @!p2 [sflag:s14], $0x180  }
0x99: {  	s16 =	simm.s32 @!p2 $0x400;
	[sflag:s14] =	ssyncset.done @!p2 $0x0  }
0x9a: {  	s15 =	simm.s32 @!p2 $0x800;
	[sflag:s14] =	ssyncadd.s32 @!p2 $0xFFFFFE80;
	s14 =	simm.s32 @!p2 $0x50  }
0x9b: {  	[tilespmem:s15], [sflag:$0x5] =	stream.indirect.gather @!p2 [hbm4b:s7+s14], $0x80, s16, s14, $0xb8;
	[tilespmem:$0x1EB00] =	vst v63  }
0x9c: {  	s15 =	simm.s32 @!p2 $0x480;
	s16 =	simm.s32 @!p2 $0x5800  }
0x9d: {  	[tilespmem:s16], [sflag:$0x7] =	stream.indirect.gather @!p2 [hbm4b:s1+s14], $0x80, s15, s14, $0xb8;
	[tilespmem:$0x1EB00] =	vst v63  }
0x9e: {  	p2 =	sgt.u32 @!p1 s18, $0x1E  }
0x9f: {  	p2 =	por p2, p1  }
0xa0: {  	s14 =	simm.s32 @!p2 $0x6  }
0xa1: {  	_ =	swait.ge @!p2 [sflag:s14], $0x2800  }
0xa2: {  	[sflag:s14] =	ssyncset.done @!p2 $0x0  }
0xa3: {  	[sflag:s14] =	ssyncadd.s32 @!p2 $0xFFFFD800;
	s14 =	simm.s32 @!p2 $0x8  }
0xa4: {  	_ =	swait.ge @!p2 [sflag:s14], $0x2800  }
0xa5: {  	s15 =	simm.s32 @!p2 $0x300;
	[sflag:s14] =	ssyncset.done @!p2 $0x0  }
0xa6: {  	s16 =	simm.s32 @!p2 $0x3000;
	[sflag:s14] =	ssyncadd.s32 @!p2 $0xFFFFD800;
	s14 =	simm.s32 @!p2 $0x50  }
0xa7: {  	[spmem:s3] =	stream.indirect.scatter.add.f32 @!p2 [tilespmem:s16], [sflag:$0xA], $0x80, s15, s14, $0xb8;
	[tilespmem:$0x1EB00] =	vst v63  }
0xa8: {  	s16 =	simm.s32 @!p2 $0x8000  }
0xa9: {  	[spmem:s3] =	stream.indirect.scatter.add.f32 @!p2 [tilespmem:s16], [sflag:$0xA], $0x80, s15, s14, $0xb8;
	[tilespmem:$0x1EB00] =	vst v63  }
0xaa: {  	s16 =	simm.s32 @!p2 $0xA800  }
0xab: {  	[spmem:s4] =	stream.indirect.scatter.add.f32 @!p2 [tilespmem:s16], [sflag:$0xA], $0x1, s15, s14, $0xb8;
	[tilespmem:$0x1EB00] =	vst v63  }
0xac: {  	p2 =	sgt.u32 @!p1 s13, $0x7D  }
0xad: {  	p4 =	por p2, p1  }
0xae: {  	s14 =	simm.s32 @!p4 $0xA  }
0xaf: {  	_ =	swait.ge @!p4 [sflag:s14], $0x2800  }
0xb0: {  	[sflag:s14] =	ssyncset.done @!p4 $0x0  }
0xb1: {  	[sflag:s14] =	ssyncadd.s32 @!p4 $0xFFFFD800  }
0xb2: {  	_ =	swait.ge @!p4 [sflag:s14], $0x2800  }
0xb3: {  	[sflag:s14] =	ssyncset.done @!p4 $0x0  }
0xb4: {  	[sflag:s14] =	ssyncadd.s32 @!p4 $0xFFFFD800  }
0xb5: {  	p2 =	sgt.u32 @!p1 s18, $0x1D;
	_ =	swait.ge @!p4 [sflag:s14], $0x50  }
0xb6: {  	p3 =	por p2, p1;
	[sflag:s14] =	ssyncset.done @!p4 $0x0  }
0xb7: {  	s15 =	simm.s32 @!p3 $0x200;
	[sflag:s14] =	ssyncadd.s32 @!p4 $0xFFFFFFB0;
	s14 =	simm.s32 @!p3 $0x0  }
0xb8: {  	[tilespmem:s15], [sflag:$0x2] =	stream.linear.gather @!p3 [hbm4b:s21+s14], $0x180, $0x38;
	[tilespmem:$0x1EB00] =	vst v63  }
0xb9: {  	s14 =	simm.s32 @p0 $0x4  }
0xba: {  	p5 =	slt.u32 @!p1 s13, $0x7D;
	_ =	swait.ge @p0 [sflag:s14], $0x180  }
0xbb: {  	s13 =	simm.s32 @p0 $0x50;
	p4 =	por $0x0, $0x0;
	[sflag:s14] =	ssyncset.done @p0 $0x0  }
0xbc: {  	s15 =	simm.s32 @p0 $0x3000;
	[sflag:s14] =	ssyncadd.s32 @p0 $0xFFFFFE80;
	s14 =	simm.s32 @p0 $0x600  }
0xbd: {  	[tilespmem:s15], [sflag:$0x6] =	stream.indirect.gather @p0 [hbm4b:s7+s13], $0x80, s14, s13, $0xb8;
	[tilespmem:$0x1EB00] =	vst v63  }
0xbe: {  	p4 =	por @!p1 p5, p5;
	s14 =	simm.s32 @p0 $0x680;
	s15 =	simm.s32 @p0 $0x8000  }
0xbf: {  	[tilespmem:s15], [sflag:$0x8] =	stream.indirect.gather @p0 [hbm4b:s1+s13], $0x80, s14, s13, $0xb8;
	[tilespmem:$0x1EB00] =	vst v63  }
0xc0: {  	s13 =	simm.s32 @p4 $0x5  }
0xc1: {  	_ =	swait.ge @p4 [sflag:s13], $0x2800  }
0xc2: {  	[sflag:s13] =	ssyncset.done @p4 $0x0  }
0xc3: {  	[sflag:s13] =	ssyncadd.s32 @p4 $0xFFFFD800;
	s13 =	simm.s32 @p4 $0x7  }
0xc4: {  	_ =	swait.ge @p4 [sflag:s13], $0x2800  }
0xc5: {  	s14 =	simm.s32 @p4 $0x500;
	[sflag:s13] =	ssyncset.done @p4 $0x0  }
0xc6: {  	s15 =	simm.s32 @p4 $0x800;
	[sflag:s13] =	ssyncadd.s32 @p4 $0xFFFFD800;
	s13 =	simm.s32 @p4 $0x50  }
0xc7: {  	[spmem:s3] =	stream.indirect.scatter.add.f32 @p4 [tilespmem:s15], [sflag:$0x9], $0x80, s14, s13, $0xb8;
	[tilespmem:$0x1EB00] =	vst v63  }
0xc8: {  	s15 =	simm.s32 @p4 $0x5800  }
0xc9: {  	[spmem:s3] =	stream.indirect.scatter.add.f32 @p4 [tilespmem:s15], [sflag:$0x9], $0x80, s14, s13, $0xb8;
	[tilespmem:$0x1EB00] =	vst v63  }
0xca: {  	s15 =	simm.s32 @p4 $0xA800  }
0xcb: {  	[spmem:s4] =	stream.indirect.scatter.add.f32 @p4 [tilespmem:s15], [sflag:$0x9], $0x1, s14, s13, $0xb8;
	[tilespmem:$0x1EB00] =	vst v63  }
0xcc: {  	p4 =	sgt.u32 s17, $0x7D  }
0xcd: {  	s13 =	simm.s32 @!p4 $0x9  }
0xce: {  	p2 =	por !p2, p1;
	_ =	swait.ge @!p4 [sflag:s13], $0x2800  }
0xcf: {  	p5 =	por @!p1 $0x0, $0x0;
	p3 =	por @!p3 $0x1, $0x1;
	[sflag:s13] =	ssyncset.done @!p4 $0x0  }
0xd0: {  	p3 =	por @!p2 p5, p5;
	p2 =	por $0x0, $0x0;
	[sflag:s13] =	ssyncadd.s32 @!p4 $0xFFFFD800  }
0xd1: {  	p2 =	por @!p1 p3, p3;
	_ =	swait.ge @!p4 [sflag:s13], $0x2800  }
.Ltmp5:
0xd2: {  	[sflag:s13] =	ssyncset.done @!p4 $0x0;
	(pc) =	sbr.rel @p2 .LBB2_5-.Ltmp5, $4  }
0xd3: {  	[sflag:s13] =	ssyncadd.s32 @!p4 $0xFFFFD800  }
0xd4: {  	_ =	swait.ge @!p4 [sflag:s13], $0x50  }
0xd5: {  	[sflag:s13] =	ssyncset.done @!p4 $0x0  }
0xd6: {  	[sflag:s13] =	ssyncadd.s32 @!p4 $0xFFFFFFB0  }
.Ltmp6:
0xd7: {  	(pc) =	sbr.rel @p1 .LBB2_8-.Ltmp6, $4  }
.Ltmp7:
0xd8: {  	(pc) =	sbr.rel @!p1 .LBB2_7-.Ltmp7, $4  }
0xd9: {  	_ = 	snop  }
0xda: {  	_ = 	snop  }
0xdb: {  	_ = 	snop  }
0xdc: {  	_ = 	snop  }
.LBB2_10:
0xdd: {  	_ =	sfence.sel $0x180000  }
0xde: {  	[bflag:$0x0] =	sbarrier.arrive $0xFFFF  }
0xdf: {  	_ =	strace $0x90000047  }
0xe0: {  	s0 =	stileid.u32;
	[bflag:$0x2] =	sbarrier.arrive $0xFFFF  }
0xe1: {  	p0 =	sne.s32 s0, $0x0;
	s0 =	rddreg [dreg:$0x5]  }
0xe2: {  	s0 =	sadd.s32 @!p0 $0x100000, s0  }
0xe3: {  	[sflag:s0] =	ssyncadd.tile.s32 @!p0 $0x1;
	_ =	shalt  }
.Lfunc_end2:
_tile_overlayer_lowered:
.L_overlay_start_2:
0xe4: {  	(tag) =	ssettag $0x2  }
0xe5: {  	s0 =	rddreg [dreg:$0x0];
	s2 =	stileid.u32  }
0xe6: {  	s1 =	rddreg [dreg:$0x1];
	p0 =	sne.s32 s2, $0x0  }
0xe7: {  	s3 =	rddreg [dreg:$0x2];
	[bflag:$0x3] =	sbarrier.arrive $0xFFFF;
	s2 =	simm.s32 @!p0 $0x1C0B  }
0xe8: {  	[timem:s3], [sflag:s2] =	dma.local @!p0 [hbm:s0], s1  }
0xe9: {  	s0 =	simm.s32 @!p0 $0xB  }
0xea: {  	_ =	swait.ge @!p0 [sflag:s0], s1  }
0xeb: {  	s1 =	ssub.s32 @!p0 $0x0, s1;
	[sflag:s0] =	ssyncset.done @!p0 $0x0  }
0xec: {  	[sflag:s0] =	ssyncadd.s32 @!p0 s1  }
0xed: {  	[bflag:$0x3] =	sbarrier.arrive $0xFFFF  }
0xee: {  	_ =	shalt  }

</sc_bundles>
